<compile_context>
chip_gen: v7x
topology: tpu7x:2x2x1
jax: 0.10.2.dev20260603
libtpu: 0.0.44.dev20260713+nightly
codegen_flags: <defaults>
</compile_context>

<pallas_src>
import jax
import jax.numpy as jnp
from jax import lax
from jax.experimental import pallas as pl
from jax.experimental.pallas import tpu as pltpu
from jax.experimental.pallas import tpu_sc as plsc

_ALT_VALUES = (150, 200, 250, 300)
_NUM_PARTS = 16
_NUM_ROWS = 5
_BATCH = 16384
_NC, _NS = 2, 16
_NW = _NC * _NS
_BPW = _BATCH // _NW
_GROUPS = _BPW // 16


_NCHUNK = 8
_ROWS_PER_CHUNK = _BPW // _NCHUNK
_GROUPS_PER_CHUNK = _ROWS_PER_CHUNK // 16


def _sc_kernel(att_hbm, alt_hbm, temp_hbm, out_hbm, att_v, temp_v, alt_v,
               table_v, rows_v, sems):
    wid = lax.axis_index("s") * _NC + lax.axis_index("c")
    base = wid * _BPW
    pltpu.sync_copy(att_hbm, att_v)
    pltpu.sync_copy(temp_hbm, temp_v)
    pltpu.sync_copy(alt_hbm.at[pl.ds(base, _BPW)], alt_v)

    recip = 1.0 / jnp.maximum(jnp.abs(temp_v[...]), jnp.float32(0.1))
    for i in range(_NUM_ROWS):
        w = att_v[i] * recip
        e = jnp.exp(w - jnp.max(w))
        table_v[pl.ds(i * _NUM_PARTS, _NUM_PARTS)] = e / jnp.sum(e)

    default_row = table_v[pl.ds(4 * _NUM_PARTS, _NUM_PARTS)]

    def chunk_body(c, carry):
        def fill_body(e, carry2):
            rows_v[c * _ROWS_PER_CHUNK + e, :] = default_row
            return carry2

        lax.fori_loop(0, _ROWS_PER_CHUNK, fill_body, 0, unroll=4)

        def group_body(gg, carry2):
            g = c * _GROUPS_PER_CHUNK + gg
            a = alt_v[pl.ds(g * 16, 16)]
            hits = (a == jnp.int32(_ALT_VALUES[0]))
            for v in _ALT_VALUES[1:]:
                hits = hits | (a == jnp.int32(v))

            @pl.when(jnp.any(hits))
            def _fixup():
                idx = jnp.full((16,), 4, dtype=jnp.int32)
                for i, v in enumerate(_ALT_VALUES):
                    idx = jnp.where(a == jnp.int32(v), jnp.int32(i), idx)
                offs = idx * _NUM_PARTS
                for k in range(16):
                    rows_v[g * 16 + k, :] = table_v[pl.ds(offs[k],
                                                          _NUM_PARTS)]
            return carry2

        lax.fori_loop(0, _GROUPS_PER_CHUNK, group_body, 0)
        pltpu.async_copy(
            rows_v.at[pl.ds(c * _ROWS_PER_CHUNK, _ROWS_PER_CHUNK)],
            out_hbm.at[pl.ds(base + c * _ROWS_PER_CHUNK, _ROWS_PER_CHUNK)],
            sems,
        )
        return carry

    lax.fori_loop(0, _NCHUNK, chunk_body, 0)
    for _ in range(_NCHUNK):
        pltpu.make_async_copy(
            rows_v.at[pl.ds(0, _ROWS_PER_CHUNK)],
            out_hbm.at[pl.ds(base, _ROWS_PER_CHUNK)],
            sems,
        ).wait()


def kernel(altitudes, attention, temp):
    mesh = plsc.VectorSubcoreMesh(core_axis_name="c", subcore_axis_name="s")
    run = pl.kernel(
        _sc_kernel,
        out_type=jax.ShapeDtypeStruct((_BATCH, _NUM_PARTS), jnp.float32),
        mesh=mesh,
        compiler_params=pltpu.CompilerParams(
            use_tc_tiling_on_sc=True, needs_layout_passes=False),
        scratch_types=[
            pltpu.VMEM((_NUM_ROWS, _NUM_PARTS), jnp.float32),
            pltpu.VMEM((16,), jnp.float32),
            pltpu.VMEM((_BPW,), jnp.int32),
            pltpu.VMEM((_NUM_ROWS * _NUM_PARTS,), jnp.float32),
            pltpu.VMEM((_BPW, _NUM_PARTS), jnp.float32),
            pltpu.SemaphoreType.DMA,
        ],
    )
    temp16 = jnp.broadcast_to(jnp.asarray(temp, jnp.float32).reshape(1), (16,))
    return run(attention, altitudes, temp16)

# --- scband reference (transcript-rebuilt; emitter-appended) ---
"""Pipeline reference for scband-altitude-part-attention-45672682225960 (READ-ONLY COPY).

The authoritative reference and input builder live on the scoring server;
editing this copy changes nothing except your own understanding.
"""

import jax, jax.numpy as jnp
import numpy as np

ALT_VALUES = [150, 200, 250, 300]
DEFAULT_IDX = len(ALT_VALUES)
NUM_PARTS = 16
BATCH = 16384


def setup_inputs(seed: int = 0) -> dict:
    key = jax.random.key(seed)
    k1, k2, k3 = jax.random.split(key, 3)
    altitudes = jax.random.randint(k1, (BATCH,), 0, 301, dtype=jnp.int32)
    # learned params: nn.Parameter(torch.ones(n, num_parts)) and temp=1.0; use randn for a
    # non-degenerate attention table, scalar temp as in the module init
    attention = jax.random.normal(k2, (DEFAULT_IDX + 1, NUM_PARTS), dtype=jnp.float32)
    temp = jnp.asarray(1.0, dtype=jnp.float32)
    return {"altitudes": altitudes, "attention": attention, "temp": temp}


def reference(altitudes, attention, temp):
    B = altitudes.shape[0]
    indices = jnp.full((B,), DEFAULT_IDX, dtype=jnp.int32)
    for idx, val in enumerate(ALT_VALUES):
        indices = jnp.where(altitudes == val, jnp.int32(idx), indices)
    w = jnp.take(attention, indices, axis=0)
    t = jnp.maximum(jnp.abs(temp), 0.1)
    return jax.nn.softmax(w / t, axis=-1)

if __name__ == "__main__":
    import jax
    _d = setup_inputs()
    print(jax.jit(kernel)(*tuple(_d.values())))

</pallas_src>

<mosaic_0001>
#map = affine_map<(d0, d1) -> (0, 0)>
#map1 = affine_map<(d0, d1) -> (0)>
module attributes {stable_mosaic.version = 14 : i64} {
  func.func @_sc_kernel(%arg0: i32, %arg1: i32, %arg2: memref<5x16xf32, #tpu.memory_space<hbm>>, %arg3: memref<16384xi32, #tpu.memory_space<hbm>>, %arg4: memref<16xf32, #tpu.memory_space<hbm>>, %arg5: memref<16384x16xf32, #tpu.memory_space<hbm>>, %arg6: memref<5x16xf32, #tpu.memory_space<vmem>>, %arg7: memref<16xf32, #tpu.memory_space<vmem>>, %arg8: memref<512xi32, #tpu.memory_space<vmem>>, %arg9: memref<80xf32, #tpu.memory_space<vmem>>, %arg10: memref<512x16xf32, #tpu.memory_space<vmem>>, %arg11: memref<!tpu.dma_semaphore, #tpu.memory_space<semaphore_mem>>) attributes {dimension_semantics = [#tpu.dimension_semantics<core_parallel>, #tpu.dimension_semantics<subcore_parallel>], iteration_bounds = array<i64: 2, 16>, scalar_prefetch = 0 : i64, scratch_operands = 6 : i64, tpu.core_type = #tpu.core_type<sc_vector_subcore>, window_params = [{transform_indices = #map}, {transform_indices = #map1}, {transform_indices = #map1}, {transform_indices = #map}]} {
    %mul3A = arith.constant 2 : i32
    %mul3A_0 = arith.muli %arg1, %mul3A : i32
    %add3A = arith.addi %mul3A_0, %arg0 : i32
    %mul3A_1 = arith.constant 512 : i32
    %mul3A_2 = arith.muli %add3A, %mul3A_1 : i32
    "tpu.region"() ({
      %run_scoped3A = tpu.sem_alloc : memref<!tpu.dma_semaphore, #tpu.memory_space<semaphore_mem>>
      tpu.enqueue_dma source(%arg2 : memref<5x16xf32, #tpu.memory_space<hbm>>) target(%arg6 : memref<5x16xf32, #tpu.memory_space<vmem>>) target_semaphore(%run_scoped3A : memref<!tpu.dma_semaphore, #tpu.memory_space<semaphore_mem>>)
      tpu.wait_dma2 semaphore(%run_scoped3A : memref<!tpu.dma_semaphore, #tpu.memory_space<semaphore_mem>>) src(%arg2 : memref<5x16xf32, #tpu.memory_space<hbm>>) dst(%arg6 : memref<5x16xf32, #tpu.memory_space<vmem>>)
      tpu.yield
    }) : () -> ()
    "tpu.region"() ({
      %run_scoped3A = tpu.sem_alloc : memref<!tpu.dma_semaphore, #tpu.memory_space<semaphore_mem>>
      tpu.enqueue_dma source(%arg4 : memref<16xf32, #tpu.memory_space<hbm>>) target(%arg7 : memref<16xf32, #tpu.memory_space<vmem>>) target_semaphore(%run_scoped3A : memref<!tpu.dma_semaphore, #tpu.memory_space<semaphore_mem>>)
      tpu.wait_dma2 semaphore(%run_scoped3A : memref<!tpu.dma_semaphore, #tpu.memory_space<semaphore_mem>>) src(%arg4 : memref<16xf32, #tpu.memory_space<hbm>>) dst(%arg7 : memref<16xf32, #tpu.memory_space<vmem>>)
      tpu.yield
    }) : () -> ()
    "tpu.region"() ({
      %run_scoped3A = tpu.sem_alloc : memref<!tpu.dma_semaphore, #tpu.memory_space<semaphore_mem>>
      %dma_start3A = tpu.memref_slice %arg3[%mul3A_2] : memref<16384xi32, #tpu.memory_space<hbm>> -> memref<512xi32, #tpu.memory_space<hbm>>
      %dma_start3A_189 = tpu.memref_slice %arg3[%mul3A_2] : memref<16384xi32, #tpu.memory_space<hbm>> -> memref<512xi32, #tpu.memory_space<hbm>>
      tpu.enqueue_dma source(%dma_start3A_189 : memref<512xi32, #tpu.memory_space<hbm>>) target(%arg8 : memref<512xi32, #tpu.memory_space<vmem>>) target_semaphore(%run_scoped3A : memref<!tpu.dma_semaphore, #tpu.memory_space<semaphore_mem>>)
      %dma_wait3A_190 = tpu.memref_slice %arg3[%mul3A_2] : memref<16384xi32, #tpu.memory_space<hbm>> -> memref<512xi32, #tpu.memory_space<hbm>>
      %dma_wait3A_191 = tpu.memref_slice %arg3[%mul3A_2] : memref<16384xi32, #tpu.memory_space<hbm>> -> memref<512xi32, #tpu.memory_space<hbm>>
      tpu.wait_dma2 semaphore(%run_scoped3A : memref<!tpu.dma_semaphore, #tpu.memory_space<semaphore_mem>>) src(%dma_wait3A_191 : memref<512xi32, #tpu.memory_space<hbm>>) dst(%arg8 : memref<512xi32, #tpu.memory_space<vmem>>)
      tpu.yield
    }) : () -> ()
    %get3A = arith.constant 0 : index
    %get3A_3 = tpu.vector_load %arg7[%get3A] {strides = array<i32>} : memref<16xf32, #tpu.memory_space<vmem>>, vector<16xf32>,
    %abs3A = math.absf %get3A_3 : vector<16xf32>
    %max3A = arith.constant 1.000000e-01 : f32
    %max3A_4 = vector.broadcast %max3A : f32 to vector<16xf32>
    %max3A_5 = arith.maximumf %abs3A, %max3A_4 : vector<16xf32>
    %div3A = arith.constant 1.000000e+00 : f32
    %div3A_6 = vector.broadcast %div3A : f32 to vector<16xf32>
    %div3A_7 = arith.divf %div3A_6, %max3A_5 : vector<16xf32>
    %get3A_8 = arith.constant 0 : i32
    %get3A_9 = arith.index_cast %get3A_8 : i32 to index
    %get3A_10 = arith.constant 0 : index
    %get3A_11 = tpu.vector_load %arg6[%get3A_9, %get3A_10] {strides = array<i32>} : memref<5x16xf32, #tpu.memory_space<vmem>>, vector<16xf32>,
    %mul3A_12 = arith.mulf %get3A_11, %div3A_7 : vector<16xf32>
    %reduce_max3A = arith.constant true
    %reduce_max3A_13 = vector.broadcast %reduce_max3A : i1 to vector<16xi1>
    %reduce_max3A_14 = tpu.scan <max>, %mul3A_12 masked %reduce_max3A_13 : vector<16xf32>, vector<16xi1> -> vector<16xf32>
    %reduce_max3A_15 = vector.extract %reduce_max3A_14[15] : f32 from vector<16xf32>
    %sub3A = vector.broadcast %reduce_max3A_15 : f32 to vector<16xf32>
    %sub3A_16 = arith.subf %mul3A_12, %sub3A : vector<16xf32>
    %exp3A = math.exp %sub3A_16 : vector<16xf32>
    %reduce_sum3A = arith.constant true
    %reduce_sum3A_17 = vector.broadcast %reduce_sum3A : i1 to vector<16xi1>
    %reduce_sum3A_18 = tpu.scan <sum>, %exp3A masked %reduce_sum3A_17 : vector<16xf32>, vector<16xi1> -> vector<16xf32>
    %reduce_sum3A_19 = vector.extract %reduce_sum3A_18[15] : f32 from vector<16xf32>
    %div3A_20 = vector.broadcast %reduce_sum3A_19 : f32 to vector<16xf32>
    %div3A_21 = arith.divf %exp3A, %div3A_20 : vector<16xf32>
    %swap3A = arith.constant 0 : index
    %swap3A_22 = tpu.vector_load %arg9[%swap3A] {strides = array<i32>} : memref<80xf32, #tpu.memory_space<vmem>>, vector<16xf32>,
    tpu.vector_store %arg9[%swap3A], %div3A_21 {strides = array<i32>} : memref<80xf32, #tpu.memory_space<vmem>>, vector<16xf32>,
    %get3A_23 = arith.constant 1 : i32
    %get3A_24 = arith.index_cast %get3A_23 : i32 to index
    %get3A_25 = arith.constant 0 : index
    %get3A_26 = tpu.vector_load %arg6[%get3A_24, %get3A_25] {strides = array<i32>} : memref<5x16xf32, #tpu.memory_space<vmem>>, vector<16xf32>,
    %mul3A_27 = arith.mulf %get3A_26, %div3A_7 : vector<16xf32>
    %reduce_max3A_28 = arith.constant true
    %reduce_max3A_29 = vector.broadcast %reduce_max3A_28 : i1 to vector<16xi1>
    %reduce_max3A_30 = tpu.scan <max>, %mul3A_27 masked %reduce_max3A_29 : vector<16xf32>, vector<16xi1> -> vector<16xf32>
    %reduce_max3A_31 = vector.extract %reduce_max3A_30[15] : f32 from vector<16xf32>
    %sub3A_32 = vector.broadcast %reduce_max3A_31 : f32 to vector<16xf32>
    %sub3A_33 = arith.subf %mul3A_27, %sub3A_32 : vector<16xf32>
    %exp3A_34 = math.exp %sub3A_33 : vector<16xf32>
    %reduce_sum3A_35 = arith.constant true
    %reduce_sum3A_36 = vector.broadcast %reduce_sum3A_35 : i1 to vector<16xi1>
    %reduce_sum3A_37 = tpu.scan <sum>, %exp3A_34 masked %reduce_sum3A_36 : vector<16xf32>, vector<16xi1> -> vector<16xf32>
    %reduce_sum3A_38 = vector.extract %reduce_sum3A_37[15] : f32 from vector<16xf32>
    %div3A_39 = vector.broadcast %reduce_sum3A_38 : f32 to vector<16xf32>
    %div3A_40 = arith.divf %exp3A_34, %div3A_39 : vector<16xf32>
    %swap3A_41 = arith.constant 16 : index
    %swap3A_42 = tpu.vector_load %arg9[%swap3A_41] {strides = array<i32>} : memref<80xf32, #tpu.memory_space<vmem>>, vector<16xf32>,
    tpu.vector_store %arg9[%swap3A_41], %div3A_40 {strides = array<i32>} : memref<80xf32, #tpu.memory_space<vmem>>, vector<16xf32>,
    %get3A_43 = arith.constant 2 : i32
    %get3A_44 = arith.index_cast %get3A_43 : i32 to index
    %get3A_45 = arith.constant 0 : index
    %get3A_46 = tpu.vector_load %arg6[%get3A_44, %get3A_45] {strides = array<i32>} : memref<5x16xf32, #tpu.memory_space<vmem>>, vector<16xf32>,
    %mul3A_47 = arith.mulf %get3A_46, %div3A_7 : vector<16xf32>
    %reduce_max3A_48 = arith.constant true
    %reduce_max3A_49 = vector.broadcast %reduce_max3A_48 : i1 to vector<16xi1>
    %reduce_max3A_50 = tpu.scan <max>, %mul3A_47 masked %reduce_max3A_49 : vector<16xf32>, vector<16xi1> -> vector<16xf32>
    %reduce_max3A_51 = vector.extract %reduce_max3A_50[15] : f32 from vector<16xf32>
    %sub3A_52 = vector.broadcast %reduce_max3A_51 : f32 to vector<16xf32>
    %sub3A_53 = arith.subf %mul3A_47, %sub3A_52 : vector<16xf32>
    %exp3A_54 = math.exp %sub3A_53 : vector<16xf32>
    %reduce_sum3A_55 = arith.constant true
    %reduce_sum3A_56 = vector.broadcast %reduce_sum3A_55 : i1 to vector<16xi1>
    %reduce_sum3A_57 = tpu.scan <sum>, %exp3A_54 masked %reduce_sum3A_56 : vector<16xf32>, vector<16xi1> -> vector<16xf32>
    %reduce_sum3A_58 = vector.extract %reduce_sum3A_57[15] : f32 from vector<16xf32>
    %div3A_59 = vector.broadcast %reduce_sum3A_58 : f32 to vector<16xf32>
    %div3A_60 = arith.divf %exp3A_54, %div3A_59 : vector<16xf32>
    %swap3A_61 = arith.constant 32 : index
    %swap3A_62 = tpu.vector_load %arg9[%swap3A_61] {strides = array<i32>} : memref<80xf32, #tpu.memory_space<vmem>>, vector<16xf32>,
    tpu.vector_store %arg9[%swap3A_61], %div3A_60 {strides = array<i32>} : memref<80xf32, #tpu.memory_space<vmem>>, vector<16xf32>,
    %get3A_63 = arith.constant 3 : i32
    %get3A_64 = arith.index_cast %get3A_63 : i32 to index
    %get3A_65 = arith.constant 0 : index
    %get3A_66 = tpu.vector_load %arg6[%get3A_64, %get3A_65] {strides = array<i32>} : memref<5x16xf32, #tpu.memory_space<vmem>>, vector<16xf32>,
    %mul3A_67 = arith.mulf %get3A_66, %div3A_7 : vector<16xf32>
    %reduce_max3A_68 = arith.constant true
    %reduce_max3A_69 = vector.broadcast %reduce_max3A_68 : i1 to vector<16xi1>
    %reduce_max3A_70 = tpu.scan <max>, %mul3A_67 masked %reduce_max3A_69 : vector<16xf32>, vector<16xi1> -> vector<16xf32>
    %reduce_max3A_71 = vector.extract %reduce_max3A_70[15] : f32 from vector<16xf32>
    %sub3A_72 = vector.broadcast %reduce_max3A_71 : f32 to vector<16xf32>
    %sub3A_73 = arith.subf %mul3A_67, %sub3A_72 : vector<16xf32>
    %exp3A_74 = math.exp %sub3A_73 : vector<16xf32>
    %reduce_sum3A_75 = arith.constant true
    %reduce_sum3A_76 = vector.broadcast %reduce_sum3A_75 : i1 to vector<16xi1>
    %reduce_sum3A_77 = tpu.scan <sum>, %exp3A_74 masked %reduce_sum3A_76 : vector<16xf32>, vector<16xi1> -> vector<16xf32>
    %reduce_sum3A_78 = vector.extract %reduce_sum3A_77[15] : f32 from vector<16xf32>
    %div3A_79 = vector.broadcast %reduce_sum3A_78 : f32 to vector<16xf32>
    %div3A_80 = arith.divf %exp3A_74, %div3A_79 : vector<16xf32>
    %swap3A_81 = arith.constant 48 : index
    %swap3A_82 = tpu.vector_load %arg9[%swap3A_81] {strides = array<i32>} : memref<80xf32, #tpu.memory_space<vmem>>, vector<16xf32>,
    tpu.vector_store %arg9[%swap3A_81], %div3A_80 {strides = array<i32>} : memref<80xf32, #tpu.memory_space<vmem>>, vector<16xf32>,
    %get3A_83 = arith.constant 4 : i32
    %get3A_84 = arith.index_cast %get3A_83 : i32 to index
    %get3A_85 = arith.constant 0 : index
    %get3A_86 = tpu.vector_load %arg6[%get3A_84, %get3A_85] {strides = array<i32>} : memref<5x16xf32, #tpu.memory_space<vmem>>, vector<16xf32>,
    %mul3A_87 = arith.mulf %get3A_86, %div3A_7 : vector<16xf32>
    %reduce_max3A_88 = arith.constant true
    %reduce_max3A_89 = vector.broadcast %reduce_max3A_88 : i1 to vector<16xi1>
    %reduce_max3A_90 = tpu.scan <max>, %mul3A_87 masked %reduce_max3A_89 : vector<16xf32>, vector<16xi1> -> vector<16xf32>
    %reduce_max3A_91 = vector.extract %reduce_max3A_90[15] : f32 from vector<16xf32>
    %sub3A_92 = vector.broadcast %reduce_max3A_91 : f32 to vector<16xf32>
    %sub3A_93 = arith.subf %mul3A_87, %sub3A_92 : vector<16xf32>
    %exp3A_94 = math.exp %sub3A_93 : vector<16xf32>
    %reduce_sum3A_95 = arith.constant true
    %reduce_sum3A_96 = vector.broadcast %reduce_sum3A_95 : i1 to vector<16xi1>
    %reduce_sum3A_97 = tpu.scan <sum>, %exp3A_94 masked %reduce_sum3A_96 : vector<16xf32>, vector<16xi1> -> vector<16xf32>
    %reduce_sum3A_98 = vector.extract %reduce_sum3A_97[15] : f32 from vector<16xf32>
    %div3A_99 = vector.broadcast %reduce_sum3A_98 : f32 to vector<16xf32>
    %div3A_100 = arith.divf %exp3A_94, %div3A_99 : vector<16xf32>
    %swap3A_101 = arith.constant 64 : index
    %swap3A_102 = tpu.vector_load %arg9[%swap3A_101] {strides = array<i32>} : memref<80xf32, #tpu.memory_space<vmem>>, vector<16xf32>,
    tpu.vector_store %arg9[%swap3A_101], %div3A_100 {strides = array<i32>} : memref<80xf32, #tpu.memory_space<vmem>>, vector<16xf32>,
    %get3A_103 = arith.constant 64 : index
    %get3A_104 = tpu.vector_load %arg9[%get3A_103] {strides = array<i32>} : memref<80xf32, #tpu.memory_space<vmem>>, vector<16xf32>,
    %scan3A = arith.constant 0 : i32
    %scan3A_105 = arith.constant 0 : i32
    %scan3A_106 = arith.constant 8 : i32
    %scan3A_107 = arith.addi %scan3A_105, %scan3A_106 : i32
    %scan3A_108 = arith.constant 1 : i32
    scf.for %scan3A_189 = %scan3A_105 to %scan3A_107 step %scan3A_108  : i32 {
      %scan3A_190 = arith.constant 0 : i32
      %scan3A_191 = arith.constant 0 : i32
      %scan3A_192 = arith.constant 64 : i32
      %scan3A_193 = arith.addi %scan3A_191, %scan3A_192 : i32
      %scan3A_194 = arith.constant 4 : i32
      scf.for %scan3A_214 = %scan3A_191 to %scan3A_193 step %scan3A_194  : i32 {
        %mul3A_215 = arith.constant 64 : i32
        %mul3A_216 = arith.muli %scan3A_189, %mul3A_215 : i32
        %add3A_217 = arith.addi %mul3A_216, %scan3A_214 : i32
        %swap3A_218 = arith.index_cast %add3A_217 : i32 to index
        %swap3A_219 = arith.constant 0 : index
        %swap3A_220 = tpu.vector_load %arg10[%swap3A_218, %swap3A_219] {strides = array<i32>} : memref<512x16xf32, #tpu.memory_space<vmem>>, vector<16xf32>,
        tpu.vector_store %arg10[%swap3A_218, %swap3A_219], %get3A_104 {strides = array<i32>} : memref<512x16xf32, #tpu.memory_space<vmem>>, vector<16xf32>,
        %scan3A_221 = arith.constant 1 : i32
        %scan3A_222 = arith.addi %scan3A_214, %scan3A_221 : i32
        %mul3A_223 = arith.constant 64 : i32
        %mul3A_224 = arith.muli %scan3A_189, %mul3A_223 : i32
        %add3A_225 = arith.addi %mul3A_224, %scan3A_222 : i32
        %swap3A_226 = arith.index_cast %add3A_225 : i32 to index
        %swap3A_227 = arith.constant 0 : index
        %swap3A_228 = tpu.vector_load %arg10[%swap3A_226, %swap3A_227] {strides = array<i32>} : memref<512x16xf32, #tpu.memory_space<vmem>>, vector<16xf32>,
        tpu.vector_store %arg10[%swap3A_226, %swap3A_227], %get3A_104 {strides = array<i32>} : memref<512x16xf32, #tpu.memory_space<vmem>>, vector<16xf32>,
        %scan3A_229 = arith.constant 2 : i32
        %scan3A_230 = arith.addi %scan3A_214, %scan3A_229 : i32
        %mul3A_231 = arith.constant 64 : i32
        %mul3A_232 = arith.muli %scan3A_189, %mul3A_231 : i32
        %add3A_233 = arith.addi %mul3A_232, %scan3A_230 : i32
        %swap3A_234 = arith.index_cast %add3A_233 : i32 to index
        %swap3A_235 = arith.constant 0 : index
        %swap3A_236 = tpu.vector_load %arg10[%swap3A_234, %swap3A_235] {strides = array<i32>} : memref<512x16xf32, #tpu.memory_space<vmem>>, vector<16xf32>,
        tpu.vector_store %arg10[%swap3A_234, %swap3A_235], %get3A_104 {strides = array<i32>} : memref<512x16xf32, #tpu.memory_space<vmem>>, vector<16xf32>,
        %scan3A_237 = arith.constant 3 : i32
        %scan3A_238 = arith.addi %scan3A_214, %scan3A_237 : i32
        %mul3A_239 = arith.constant 64 : i32
        %mul3A_240 = arith.muli %scan3A_189, %mul3A_239 : i32
        %add3A_241 = arith.addi %mul3A_240, %scan3A_238 : i32
        %swap3A_242 = arith.index_cast %add3A_241 : i32 to index
        %swap3A_243 = arith.constant 0 : index
        %swap3A_244 = tpu.vector_load %arg10[%swap3A_242, %swap3A_243] {strides = array<i32>} : memref<512x16xf32, #tpu.memory_space<vmem>>, vector<16xf32>,
        tpu.vector_store %arg10[%swap3A_242, %swap3A_243], %get3A_104 {strides = array<i32>} : memref<512x16xf32, #tpu.memory_space<vmem>>, vector<16xf32>,
      }
      %scan3A_195 = arith.constant 64 : i32
      %scan3A_196 = arith.constant 0 : i32
      %scan3A_197 = arith.constant 0 : i32
      %scan3A_198 = arith.constant 4 : i32
      %scan3A_199 = arith.addi %scan3A_197, %scan3A_198 : i32
      %scan3A_200 = arith.constant 1 : i32
      scf.for %scan3A_214 = %scan3A_197 to %scan3A_199 step %scan3A_200  : i32 {
        %mul3A_215 = arith.constant 4 : i32
        %mul3A_216 = arith.muli %scan3A_189, %mul3A_215 : i32
        %add3A_217 = arith.addi %mul3A_216, %scan3A_214 : i32
        %mul3A_218 = arith.constant 16 : i32
        %mul3A_219 = arith.muli %add3A_217, %mul3A_218 : i32
        %get3A_220 = arith.index_cast %mul3A_219 : i32 to index
        %get3A_221 = tpu.vector_load %arg8[%get3A_220] {strides = array<i32>} : memref<512xi32, #tpu.memory_space<vmem>>, vector<16xi32>,
        %eq3A = arith.constant 150 : i32
        %eq3A_222 = vector.broadcast %eq3A : i32 to vector<16xi32>
        %eq3A_223 = arith.cmpi eq, %get3A_221, %eq3A_222 : vector<16xi32>
        %eq3A_224 = arith.constant 200 : i32
        %eq3A_225 = vector.broadcast %eq3A_224 : i32 to vector<16xi32>
        %eq3A_226 = arith.cmpi eq, %get3A_221, %eq3A_225 : vector<16xi32>
        %or3A = arith.ori %eq3A_223, %eq3A_226 : vector<16xi1>
        %eq3A_227 = arith.constant 250 : i32
        %eq3A_228 = vector.broadcast %eq3A_227 : i32 to vector<16xi32>
        %eq3A_229 = arith.cmpi eq, %get3A_221, %eq3A_228 : vector<16xi32>
        %or3A_230 = arith.ori %or3A, %eq3A_229 : vector<16xi1>
        %eq3A_231 = arith.constant 300 : i32
        %eq3A_232 = vector.broadcast %eq3A_231 : i32 to vector<16xi32>
        %eq3A_233 = arith.cmpi eq, %get3A_221, %eq3A_232 : vector<16xi32>
        %or3A_234 = arith.ori %or3A_230, %eq3A_233 : vector<16xi1>
        %reduce_or3A = arith.constant 1.000000e+00 : f32
        %reduce_or3A_235 = arith.constant 0.000000e+00 : f32
        %reduce_or3A_236 = vector.broadcast %reduce_or3A : f32 to vector<16xf32>
        %reduce_or3A_237 = vector.broadcast %reduce_or3A_235 : f32 to vector<16xf32>
        %reduce_or3A_238 = arith.select %or3A_234, %reduce_or3A_236, %reduce_or3A_237 : vector<16xi1>, vector<16xf32>
        %reduce_or3A_239 = arith.constant true
        %reduce_or3A_240 = vector.broadcast %reduce_or3A_239 : i1 to vector<16xi1>
        %reduce_or3A_241 = tpu.scan <max>, %reduce_or3A_238 masked %reduce_or3A_240 : vector<16xf32>, vector<16xi1> -> vector<16xf32>
        %reduce_or3A_242 = vector.extract %reduce_or3A_241[15] : f32 from vector<16xf32>
        %reduce_or3A_243 = arith.constant 0.000000e+00 : f32
        %reduce_or3A_244 = arith.cmpf ogt, %reduce_or3A_242, %reduce_or3A_243 : f32
        %convert_element_type3A = arith.extui %reduce_or3A_244 : i1 to i32
        %cond3A = arith.constant 0 : i32
        %cond3A_245 = arith.cmpi ne, %convert_element_type3A, %cond3A : i32
        scf.if %cond3A_245 {
          %broadcast_in_dim3A = arith.constant 4 : i32
          %broadcast_in_dim3A_246 = vector.broadcast %broadcast_in_dim3A : i32 to vector<16xi32>
          %eq3A_247 = arith.constant 150 : i32
          %eq3A_248 = vector.broadcast %eq3A_247 : i32 to vector<16xi32>
          %eq3A_249 = arith.cmpi eq, %get3A_221, %eq3A_248 : vector<16xi32>
          %jit3A = arith.constant 0 : i32
          %broadcast_in_dim3A_250 = vector.broadcast %jit3A : i32 to vector<16xi32>
          %select_n3A = arith.select %eq3A_249, %broadcast_in_dim3A_250, %broadcast_in_dim3A_246 : vector<16xi1>, vector<16xi32>
          %eq3A_251 = arith.constant 200 : i32
          %eq3A_252 = vector.broadcast %eq3A_251 : i32 to vector<16xi32>
          %eq3A_253 = arith.cmpi eq, %get3A_221, %eq3A_252 : vector<16xi32>
          %jit3A_254 = arith.constant 1 : i32
          %broadcast_in_dim3A_255 = vector.broadcast %jit3A_254 : i32 to vector<16xi32>
          %select_n3A_256 = arith.select %eq3A_253, %broadcast_in_dim3A_255, %select_n3A : vector<16xi1>, vector<16xi32>
          %eq3A_257 = arith.constant 250 : i32
          %eq3A_258 = vector.broadcast %eq3A_257 : i32 to vector<16xi32>
          %eq3A_259 = arith.cmpi eq, %get3A_221, %eq3A_258 : vector<16xi32>
          %jit3A_260 = arith.constant 2 : i32
          %broadcast_in_dim3A_261 = vector.broadcast %jit3A_260 : i32 to vector<16xi32>
          %select_n3A_262 = arith.select %eq3A_259, %broadcast_in_dim3A_261, %select_n3A_256 : vector<16xi1>, vector<16xi32>
          %eq3A_263 = arith.constant 300 : i32
          %eq3A_264 = vector.broadcast %eq3A_263 : i32 to vector<16xi32>
          %eq3A_265 = arith.cmpi eq, %get3A_221, %eq3A_264 : vector<16xi32>
          %jit3A_266 = arith.constant 3 : i32
          %broadcast_in_dim3A_267 = vector.broadcast %jit3A_266 : i32 to vector<16xi32>
          %select_n3A_268 = arith.select %eq3A_265, %broadcast_in_dim3A_267, %select_n3A_262 : vector<16xi1>, vector<16xi32>
          %mul3A_269 = arith.constant 16 : i32
          %mul3A_270 = vector.broadcast %mul3A_269 : i32 to vector<16xi32>
          %mul3A_271 = arith.muli %select_n3A_268, %mul3A_270 : vector<16xi32>
          %slice3A = vector.extract_strided_slice %mul3A_271 {offsets = [0], sizes = [1], strides = [1]} : vector<16xi32> to vector<1xi32>
          %squeeze3A = vector.extract %slice3A[0] : i32 from vector<1xi32>
          %get3A_272 = arith.index_cast %squeeze3A : i32 to index
          %get3A_273 = tpu.vector_load %arg9[%get3A_272] {strides = array<i32>} : memref<80xf32, #tpu.memory_space<vmem>>, vector<16xf32>,
          %mul3A_274 = arith.constant 16 : i32
          %mul3A_275 = arith.muli %add3A_217, %mul3A_274 : i32
          %add3A_276 = arith.constant 0 : i32
          %add3A_277 = arith.addi %mul3A_275, %add3A_276 : i32
          %swap3A_278 = arith.index_cast %add3A_277 : i32 to index
          %swap3A_279 = arith.constant 0 : index
          %swap3A_280 = tpu.vector_load %arg10[%swap3A_278, %swap3A_279] {strides = array<i32>} : memref<512x16xf32, #tpu.memory_space<vmem>>, vector<16xf32>,
          tpu.vector_store %arg10[%swap3A_278, %swap3A_279], %get3A_273 {strides = array<i32>} : memref<512x16xf32, #tpu.memory_space<vmem>>, vector<16xf32>,
          %slice3A_281 = vector.extract_strided_slice %mul3A_271 {offsets = [1], sizes = [1], strides = [1]} : vector<16xi32> to vector<1xi32>
          %squeeze3A_282 = vector.extract %slice3A_281[0] : i32 from vector<1xi32>
          %get3A_283 = arith.index_cast %squeeze3A_282 : i32 to index
          %get3A_284 = tpu.vector_load %arg9[%get3A_283] {strides = array<i32>} : memref<80xf32, #tpu.memory_space<vmem>>, vector<16xf32>,
          %mul3A_285 = arith.constant 16 : i32
          %mul3A_286 = arith.muli %add3A_217, %mul3A_285 : i32
          %add3A_287 = arith.constant 1 : i32
          %add3A_288 = arith.addi %mul3A_286, %add3A_287 : i32
          %swap3A_289 = arith.index_cast %add3A_288 : i32 to index
          %swap3A_290 = arith.constant 0 : index
          %swap3A_291 = tpu.vector_load %arg10[%swap3A_289, %swap3A_290] {strides = array<i32>} : memref<512x16xf32, #tpu.memory_space<vmem>>, vector<16xf32>,
          tpu.vector_store %arg10[%swap3A_289, %swap3A_290], %get3A_284 {strides = array<i32>} : memref<512x16xf32, #tpu.memory_space<vmem>>, vector<16xf32>,
          %slice3A_292 = vector.extract_strided_slice %mul3A_271 {offsets = [2], sizes = [1], strides = [1]} : vector<16xi32> to vector<1xi32>
          %squeeze3A_293 = vector.extract %slice3A_292[0] : i32 from vector<1xi32>
          %get3A_294 = arith.index_cast %squeeze3A_293 : i32 to index
          %get3A_295 = tpu.vector_load %arg9[%get3A_294] {strides = array<i32>} : memref<80xf32, #tpu.memory_space<vmem>>, vector<16xf32>,
          %mul3A_296 = arith.constant 16 : i32
          %mul3A_297 = arith.muli %add3A_217, %mul3A_296 : i32
          %add3A_298 = arith.constant 2 : i32
          %add3A_299 = arith.addi %mul3A_297, %add3A_298 : i32
          %swap3A_300 = arith.index_cast %add3A_299 : i32 to index
          %swap3A_301 = arith.constant 0 : index
          %swap3A_302 = tpu.vector_load %arg10[%swap3A_300, %swap3A_301] {strides = array<i32>} : memref<512x16xf32, #tpu.memory_space<vmem>>, vector<16xf32>,
          tpu.vector_store %arg10[%swap3A_300, %swap3A_301], %get3A_295 {strides = array<i32>} : memref<512x16xf32, #tpu.memory_space<vmem>>, vector<16xf32>,
          %slice3A_303 = vector.extract_strided_slice %mul3A_271 {offsets = [3], sizes = [1], strides = [1]} : vector<16xi32> to vector<1xi32>
          %squeeze3A_304 = vector.extract %slice3A_303[0] : i32 from vector<1xi32>
          %get3A_305 = arith.index_cast %squeeze3A_304 : i32 to index
          %get3A_306 = tpu.vector_load %arg9[%get3A_305] {strides = array<i32>} : memref<80xf32, #tpu.memory_space<vmem>>, vector<16xf32>,
          %mul3A_307 = arith.constant 16 : i32
          %mul3A_308 = arith.muli %add3A_217, %mul3A_307 : i32
          %add3A_309 = arith.constant 3 : i32
          %add3A_310 = arith.addi %mul3A_308, %add3A_309 : i32
          %swap3A_311 = arith.index_cast %add3A_310 : i32 to index
          %swap3A_312 = arith.constant 0 : index
          %swap3A_313 = tpu.vector_load %arg10[%swap3A_311, %swap3A_312] {strides = array<i32>} : memref<512x16xf32, #tpu.memory_space<vmem>>, vector<16xf32>,
          tpu.vector_store %arg10[%swap3A_311, %swap3A_312], %get3A_306 {strides = array<i32>} : memref<512x16xf32, #tpu.memory_space<vmem>>, vector<16xf32>,
          %slice3A_314 = vector.extract_strided_slice %mul3A_271 {offsets = [4], sizes = [1], strides = [1]} : vector<16xi32> to vector<1xi32>
          %squeeze3A_315 = vector.extract %slice3A_314[0] : i32 from vector<1xi32>
          %get3A_316 = arith.index_cast %squeeze3A_315 : i32 to index
          %get3A_317 = tpu.vector_load %arg9[%get3A_316] {strides = array<i32>} : memref<80xf32, #tpu.memory_space<vmem>>, vector<16xf32>,
          %mul3A_318 = arith.constant 16 : i32
          %mul3A_319 = arith.muli %add3A_217, %mul3A_318 : i32
          %add3A_320 = arith.constant 4 : i32
          %add3A_321 = arith.addi %mul3A_319, %add3A_320 : i32
          %swap3A_322 = arith.index_cast %add3A_321 : i32 to index
          %swap3A_323 = arith.constant 0 : index
          %swap3A_324 = tpu.vector_load %arg10[%swap3A_322, %swap3A_323] {strides = array<i32>} : memref<512x16xf32, #tpu.memory_space<vmem>>, vector<16xf32>,
          tpu.vector_store %arg10[%swap3A_322, %swap3A_323], %get3A_317 {strides = array<i32>} : memref<512x16xf32, #tpu.memory_space<vmem>>, vector<16xf32>,
          %slice3A_325 = vector.extract_strided_slice %mul3A_271 {offsets = [5], sizes = [1], strides = [1]} : vector<16xi32> to vector<1xi32>
          %squeeze3A_326 = vector.extract %slice3A_325[0] : i32 from vector<1xi32>
          %get3A_327 = arith.index_cast %squeeze3A_326 : i32 to index
          %get3A_328 = tpu.vector_load %arg9[%get3A_327] {strides = array<i32>} : memref<80xf32, #tpu.memory_space<vmem>>, vector<16xf32>,
          %mul3A_329 = arith.constant 16 : i32
          %mul3A_330 = arith.muli %add3A_217, %mul3A_329 : i32
          %add3A_331 = arith.constant 5 : i32
          %add3A_332 = arith.addi %mul3A_330, %add3A_331 : i32
          %swap3A_333 = arith.index_cast %add3A_332 : i32 to index
          %swap3A_334 = arith.constant 0 : index
          %swap3A_335 = tpu.vector_load %arg10[%swap3A_333, %swap3A_334] {strides = array<i32>} : memref<512x16xf32, #tpu.memory_space<vmem>>, vector<16xf32>,
          tpu.vector_store %arg10[%swap3A_333, %swap3A_334], %get3A_328 {strides = array<i32>} : memref<512x16xf32, #tpu.memory_space<vmem>>, vector<16xf32>,
          %slice3A_336 = vector.extract_strided_slice %mul3A_271 {offsets = [6], sizes = [1], strides = [1]} : vector<16xi32> to vector<1xi32>
          %squeeze3A_337 = vector.extract %slice3A_336[0] : i32 from vector<1xi32>
          %get3A_338 = arith.index_cast %squeeze3A_337 : i32 to index
          %get3A_339 = tpu.vector_load %arg9[%get3A_338] {strides = array<i32>} : memref<80xf32, #tpu.memory_space<vmem>>, vector<16xf32>,
          %mul3A_340 = arith.constant 16 : i32
          %mul3A_341 = arith.muli %add3A_217, %mul3A_340 : i32
          %add3A_342 = arith.constant 6 : i32
          %add3A_343 = arith.addi %mul3A_341, %add3A_342 : i32
          %swap3A_344 = arith.index_cast %add3A_343 : i32 to index
          %swap3A_345 = arith.constant 0 : index
          %swap3A_346 = tpu.vector_load %arg10[%swap3A_344, %swap3A_345] {strides = array<i32>} : memref<512x16xf32, #tpu.memory_space<vmem>>, vector<16xf32>,
          tpu.vector_store %arg10[%swap3A_344, %swap3A_345], %get3A_339 {strides = array<i32>} : memref<512x16xf32, #tpu.memory_space<vmem>>, vector<16xf32>,
          %slice3A_347 = vector.extract_strided_slice %mul3A_271 {offsets = [7], sizes = [1], strides = [1]} : vector<16xi32> to vector<1xi32>
          %squeeze3A_348 = vector.extract %slice3A_347[0] : i32 from vector<1xi32>
          %get3A_349 = arith.index_cast %squeeze3A_348 : i32 to index
          %get3A_350 = tpu.vector_load %arg9[%get3A_349] {strides = array<i32>} : memref<80xf32, #tpu.memory_space<vmem>>, vector<16xf32>,
          %mul3A_351 = arith.constant 16 : i32
          %mul3A_352 = arith.muli %add3A_217, %mul3A_351 : i32
          %add3A_353 = arith.constant 7 : i32
          %add3A_354 = arith.addi %mul3A_352, %add3A_353 : i32
          %swap3A_355 = arith.index_cast %add3A_354 : i32 to index
          %swap3A_356 = arith.constant 0 : index
          %swap3A_357 = tpu.vector_load %arg10[%swap3A_355, %swap3A_356] {strides = array<i32>} : memref<512x16xf32, #tpu.memory_space<vmem>>, vector<16xf32>,
          tpu.vector_store %arg10[%swap3A_355, %swap3A_356], %get3A_350 {strides = array<i32>} : memref<512x16xf32, #tpu.memory_space<vmem>>, vector<16xf32>,
          %slice3A_358 = vector.extract_strided_slice %mul3A_271 {offsets = [8], sizes = [1], strides = [1]} : vector<16xi32> to vector<1xi32>
          %squeeze3A_359 = vector.extract %slice3A_358[0] : i32 from vector<1xi32>
          %get3A_360 = arith.index_cast %squeeze3A_359 : i32 to index
          %get3A_361 = tpu.vector_load %arg9[%get3A_360] {strides = array<i32>} : memref<80xf32, #tpu.memory_space<vmem>>, vector<16xf32>,
          %mul3A_362 = arith.constant 16 : i32
          %mul3A_363 = arith.muli %add3A_217, %mul3A_362 : i32
          %add3A_364 = arith.constant 8 : i32
          %add3A_365 = arith.addi %mul3A_363, %add3A_364 : i32
          %swap3A_366 = arith.index_cast %add3A_365 : i32 to index
          %swap3A_367 = arith.constant 0 : index
          %swap3A_368 = tpu.vector_load %arg10[%swap3A_366, %swap3A_367] {strides = array<i32>} : memref<512x16xf32, #tpu.memory_space<vmem>>, vector<16xf32>,
          tpu.vector_store %arg10[%swap3A_366, %swap3A_367], %get3A_361 {strides = array<i32>} : memref<512x16xf32, #tpu.memory_space<vmem>>, vector<16xf32>,
          %slice3A_369 = vector.extract_strided_slice %mul3A_271 {offsets = [9], sizes = [1], strides = [1]} : vector<16xi32> to vector<1xi32>
          %squeeze3A_370 = vector.extract %slice3A_369[0] : i32 from vector<1xi32>
          %get3A_371 = arith.index_cast %squeeze3A_370 : i32 to index
          %get3A_372 = tpu.vector_load %arg9[%get3A_371] {strides = array<i32>} : memref<80xf32, #tpu.memory_space<vmem>>, vector<16xf32>,
          %mul3A_373 = arith.constant 16 : i32
          %mul3A_374 = arith.muli %add3A_217, %mul3A_373 : i32
          %add3A_375 = arith.constant 9 : i32
          %add3A_376 = arith.addi %mul3A_374, %add3A_375 : i32
          %swap3A_377 = arith.index_cast %add3A_376 : i32 to index
          %swap3A_378 = arith.constant 0 : index
          %swap3A_379 = tpu.vector_load %arg10[%swap3A_377, %swap3A_378] {strides = array<i32>} : memref<512x16xf32, #tpu.memory_space<vmem>>, vector<16xf32>,
          tpu.vector_store %arg10[%swap3A_377, %swap3A_378], %get3A_372 {strides = array<i32>} : memref<512x16xf32, #tpu.memory_space<vmem>>, vector<16xf32>,
          %slice3A_380 = vector.extract_strided_slice %mul3A_271 {offsets = [10], sizes = [1], strides = [1]} : vector<16xi32> to vector<1xi32>
          %squeeze3A_381 = vector.extract %slice3A_380[0] : i32 from vector<1xi32>
          %get3A_382 = arith.index_cast %squeeze3A_381 : i32 to index
          %get3A_383 = tpu.vector_load %arg9[%get3A_382] {strides = array<i32>} : memref<80xf32, #tpu.memory_space<vmem>>, vector<16xf32>,
          %mul3A_384 = arith.constant 16 : i32
          %mul3A_385 = arith.muli %add3A_217, %mul3A_384 : i32
          %add3A_386 = arith.constant 10 : i32
          %add3A_387 = arith.addi %mul3A_385, %add3A_386 : i32
          %swap3A_388 = arith.index_cast %add3A_387 : i32 to index
          %swap3A_389 = arith.constant 0 : index
          %swap3A_390 = tpu.vector_load %arg10[%swap3A_388, %swap3A_389] {strides = array<i32>} : memref<512x16xf32, #tpu.memory_space<vmem>>, vector<16xf32>,
          tpu.vector_store %arg10[%swap3A_388, %swap3A_389], %get3A_383 {strides = array<i32>} : memref<512x16xf32, #tpu.memory_space<vmem>>, vector<16xf32>,
          %slice3A_391 = vector.extract_strided_slice %mul3A_271 {offsets = [11], sizes = [1], strides = [1]} : vector<16xi32> to vector<1xi32>
          %squeeze3A_392 = vector.extract %slice3A_391[0] : i32 from vector<1xi32>
          %get3A_393 = arith.index_cast %squeeze3A_392 : i32 to index
          %get3A_394 = tpu.vector_load %arg9[%get3A_393] {strides = array<i32>} : memref<80xf32, #tpu.memory_space<vmem>>, vector<16xf32>,
          %mul3A_395 = arith.constant 16 : i32
          %mul3A_396 = arith.muli %add3A_217, %mul3A_395 : i32
          %add3A_397 = arith.constant 11 : i32
          %add3A_398 = arith.addi %mul3A_396, %add3A_397 : i32
          %swap3A_399 = arith.index_cast %add3A_398 : i32 to index
          %swap3A_400 = arith.constant 0 : index
          %swap3A_401 = tpu.vector_load %arg10[%swap3A_399, %swap3A_400] {strides = array<i32>} : memref<512x16xf32, #tpu.memory_space<vmem>>, vector<16xf32>,
          tpu.vector_store %arg10[%swap3A_399, %swap3A_400], %get3A_394 {strides = array<i32>} : memref<512x16xf32, #tpu.memory_space<vmem>>, vector<16xf32>,
          %slice3A_402 = vector.extract_strided_slice %mul3A_271 {offsets = [12], sizes = [1], strides = [1]} : vector<16xi32> to vector<1xi32>
          %squeeze3A_403 = vector.extract %slice3A_402[0] : i32 from vector<1xi32>
          %get3A_404 = arith.index_cast %squeeze3A_403 : i32 to index
          %get3A_405 = tpu.vector_load %arg9[%get3A_404] {strides = array<i32>} : memref<80xf32, #tpu.memory_space<vmem>>, vector<16xf32>,
          %mul3A_406 = arith.constant 16 : i32
          %mul3A_407 = arith.muli %add3A_217, %mul3A_406 : i32
          %add3A_408 = arith.constant 12 : i32
          %add3A_409 = arith.addi %mul3A_407, %add3A_408 : i32
          %swap3A_410 = arith.index_cast %add3A_409 : i32 to index
          %swap3A_411 = arith.constant 0 : index
          %swap3A_412 = tpu.vector_load %arg10[%swap3A_410, %swap3A_411] {strides = array<i32>} : memref<512x16xf32, #tpu.memory_space<vmem>>, vector<16xf32>,
          tpu.vector_store %arg10[%swap3A_410, %swap3A_411], %get3A_405 {strides = array<i32>} : memref<512x16xf32, #tpu.memory_space<vmem>>, vector<16xf32>,
          %slice3A_413 = vector.extract_strided_slice %mul3A_271 {offsets = [13], sizes = [1], strides = [1]} : vector<16xi32> to vector<1xi32>
          %squeeze3A_414 = vector.extract %slice3A_413[0] : i32 from vector<1xi32>
          %get3A_415 = arith.index_cast %squeeze3A_414 : i32 to index
          %get3A_416 = tpu.vector_load %arg9[%get3A_415] {strides = array<i32>} : memref<80xf32, #tpu.memory_space<vmem>>, vector<16xf32>,
          %mul3A_417 = arith.constant 16 : i32
          %mul3A_418 = arith.muli %add3A_217, %mul3A_417 : i32
          %add3A_419 = arith.constant 13 : i32
          %add3A_420 = arith.addi %mul3A_418, %add3A_419 : i32
          %swap3A_421 = arith.index_cast %add3A_420 : i32 to index
          %swap3A_422 = arith.constant 0 : index
          %swap3A_423 = tpu.vector_load %arg10[%swap3A_421, %swap3A_422] {strides = array<i32>} : memref<512x16xf32, #tpu.memory_space<vmem>>, vector<16xf32>,
          tpu.vector_store %arg10[%swap3A_421, %swap3A_422], %get3A_416 {strides = array<i32>} : memref<512x16xf32, #tpu.memory_space<vmem>>, vector<16xf32>,
          %slice3A_424 = vector.extract_strided_slice %mul3A_271 {offsets = [14], sizes = [1], strides = [1]} : vector<16xi32> to vector<1xi32>
          %squeeze3A_425 = vector.extract %slice3A_424[0] : i32 from vector<1xi32>
          %get3A_426 = arith.index_cast %squeeze3A_425 : i32 to index
          %get3A_427 = tpu.vector_load %arg9[%get3A_426] {strides = array<i32>} : memref<80xf32, #tpu.memory_space<vmem>>, vector<16xf32>,
          %mul3A_428 = arith.constant 16 : i32
          %mul3A_429 = arith.muli %add3A_217, %mul3A_428 : i32
          %add3A_430 = arith.constant 14 : i32
          %add3A_431 = arith.addi %mul3A_429, %add3A_430 : i32
          %swap3A_432 = arith.index_cast %add3A_431 : i32 to index
          %swap3A_433 = arith.constant 0 : index
          %swap3A_434 = tpu.vector_load %arg10[%swap3A_432, %swap3A_433] {strides = array<i32>} : memref<512x16xf32, #tpu.memory_space<vmem>>, vector<16xf32>,
          tpu.vector_store %arg10[%swap3A_432, %swap3A_433], %get3A_427 {strides = array<i32>} : memref<512x16xf32, #tpu.memory_space<vmem>>, vector<16xf32>,
          %slice3A_435 = vector.extract_strided_slice %mul3A_271 {offsets = [15], sizes = [1], strides = [1]} : vector<16xi32> to vector<1xi32>
          %squeeze3A_436 = vector.extract %slice3A_435[0] : i32 from vector<1xi32>
          %get3A_437 = arith.index_cast %squeeze3A_436 : i32 to index
          %get3A_438 = tpu.vector_load %arg9[%get3A_437] {strides = array<i32>} : memref<80xf32, #tpu.memory_space<vmem>>, vector<16xf32>,
          %mul3A_439 = arith.constant 16 : i32
          %mul3A_440 = arith.muli %add3A_217, %mul3A_439 : i32
          %add3A_441 = arith.constant 15 : i32
          %add3A_442 = arith.addi %mul3A_440, %add3A_441 : i32
          %swap3A_443 = arith.index_cast %add3A_442 : i32 to index
          %swap3A_444 = arith.constant 0 : index
          %swap3A_445 = tpu.vector_load %arg10[%swap3A_443, %swap3A_444] {strides = array<i32>} : memref<512x16xf32, #tpu.memory_space<vmem>>, vector<16xf32>,
          tpu.vector_store %arg10[%swap3A_443, %swap3A_444], %get3A_438 {strides = array<i32>} : memref<512x16xf32, #tpu.memory_space<vmem>>, vector<16xf32>,
        } else {
        }
      }
      %scan3A_201 = arith.constant 4 : i32
      %mul3A_202 = arith.constant 64 : i32
      %mul3A_203 = arith.muli %scan3A_189, %mul3A_202 : i32
      %mul3A_204 = arith.constant 64 : i32
      %mul3A_205 = arith.muli %scan3A_189, %mul3A_204 : i32
      %add3A_206 = arith.addi %mul3A_2, %mul3A_205 : i32
      %dma_start3A = arith.constant 0 : i32
      %dma_start3A_207 = tpu.memref_slice %arg10[%mul3A_203, %dma_start3A] : memref<512x16xf32, #tpu.memory_space<vmem>> -> memref<64x16xf32, #tpu.memory_space<vmem>>
      %dma_start3A_208 = arith.constant 0 : i32
      %dma_start3A_209 = tpu.memref_slice %arg5[%add3A_206, %dma_start3A_208] : memref<16384x16xf32, #tpu.memory_space<hbm>> -> memref<64x16xf32, #tpu.memory_space<hbm>>
      %dma_start3A_210 = arith.constant 0 : i32
      %dma_start3A_211 = tpu.memref_slice %arg5[%add3A_206, %dma_start3A_210] : memref<16384x16xf32, #tpu.memory_space<hbm>> -> memref<64x16xf32, #tpu.memory_space<hbm>>
      %dma_start3A_212 = arith.constant 0 : i32
      %dma_start3A_213 = tpu.memref_slice %arg10[%mul3A_203, %dma_start3A_212] : memref<512x16xf32, #tpu.memory_space<vmem>> -> memref<64x16xf32, #tpu.memory_space<vmem>>
      tpu.enqueue_dma source(%dma_start3A_213 : memref<64x16xf32, #tpu.memory_space<vmem>>) target(%dma_start3A_211 : memref<64x16xf32, #tpu.memory_space<hbm>>) target_semaphore(%arg11 : memref<!tpu.dma_semaphore, #tpu.memory_space<semaphore_mem>>)
    }
    %scan3A_109 = arith.constant 8 : i32
    %dma_wait3A = arith.constant 0 : i32
    %dma_wait3A_110 = arith.constant 0 : i32
    %dma_wait3A_111 = tpu.memref_slice %arg10[%dma_wait3A, %dma_wait3A_110] : memref<512x16xf32, #tpu.memory_space<vmem>> -> memref<64x16xf32, #tpu.memory_space<vmem>>
    %dma_wait3A_112 = arith.constant 0 : i32
    %dma_wait3A_113 = tpu.memref_slice %arg5[%mul3A_2, %dma_wait3A_112] : memref<16384x16xf32, #tpu.memory_space<hbm>> -> memref<64x16xf32, #tpu.memory_space<hbm>>
    %dma_wait3A_114 = arith.constant 0 : i32
    %dma_wait3A_115 = tpu.memref_slice %arg5[%mul3A_2, %dma_wait3A_114] : memref<16384x16xf32, #tpu.memory_space<hbm>> -> memref<64x16xf32, #tpu.memory_space<hbm>>
    %dma_wait3A_116 = arith.constant 0 : i32
    %dma_wait3A_117 = arith.constant 0 : i32
    %dma_wait3A_118 = tpu.memref_slice %arg10[%dma_wait3A_116, %dma_wait3A_117] : memref<512x16xf32, #tpu.memory_space<vmem>> -> memref<64x16xf32, #tpu.memory_space<vmem>>
    tpu.wait_dma2 semaphore(%arg11 : memref<!tpu.dma_semaphore, #tpu.memory_space<semaphore_mem>>) src(%dma_wait3A_118 : memref<64x16xf32, #tpu.memory_space<vmem>>) dst(%dma_wait3A_115 : memref<64x16xf32, #tpu.memory_space<hbm>>)
    %dma_wait3A_119 = arith.constant 0 : i32
    %dma_wait3A_120 = arith.constant 0 : i32
    %dma_wait3A_121 = tpu.memref_slice %arg10[%dma_wait3A_119, %dma_wait3A_120] : memref<512x16xf32, #tpu.memory_space<vmem>> -> memref<64x16xf32, #tpu.memory_space<vmem>>
    %dma_wait3A_122 = arith.constant 0 : i32
    %dma_wait3A_123 = tpu.memref_slice %arg5[%mul3A_2, %dma_wait3A_122] : memref<16384x16xf32, #tpu.memory_space<hbm>> -> memref<64x16xf32, #tpu.memory_space<hbm>>
    %dma_wait3A_124 = arith.constant 0 : i32
    %dma_wait3A_125 = tpu.memref_slice %arg5[%mul3A_2, %dma_wait3A_124] : memref<16384x16xf32, #tpu.memory_space<hbm>> -> memref<64x16xf32, #tpu.memory_space<hbm>>
    %dma_wait3A_126 = arith.constant 0 : i32
    %dma_wait3A_127 = arith.constant 0 : i32
    %dma_wait3A_128 = tpu.memref_slice %arg10[%dma_wait3A_126, %dma_wait3A_127] : memref<512x16xf32, #tpu.memory_space<vmem>> -> memref<64x16xf32, #tpu.memory_space<vmem>>
    tpu.wait_dma2 semaphore(%arg11 : memref<!tpu.dma_semaphore, #tpu.memory_space<semaphore_mem>>) src(%dma_wait3A_128 : memref<64x16xf32, #tpu.memory_space<vmem>>) dst(%dma_wait3A_125 : memref<64x16xf32, #tpu.memory_space<hbm>>)
    %dma_wait3A_129 = arith.constant 0 : i32
    %dma_wait3A_130 = arith.constant 0 : i32
    %dma_wait3A_131 = tpu.memref_slice %arg10[%dma_wait3A_129, %dma_wait3A_130] : memref<512x16xf32, #tpu.memory_space<vmem>> -> memref<64x16xf32, #tpu.memory_space<vmem>>
    %dma_wait3A_132 = arith.constant 0 : i32
    %dma_wait3A_133 = tpu.memref_slice %arg5[%mul3A_2, %dma_wait3A_132] : memref<16384x16xf32, #tpu.memory_space<hbm>> -> memref<64x16xf32, #tpu.memory_space<hbm>>
    %dma_wait3A_134 = arith.constant 0 : i32
    %dma_wait3A_135 = tpu.memref_slice %arg5[%mul3A_2, %dma_wait3A_134] : memref<16384x16xf32, #tpu.memory_space<hbm>> -> memref<64x16xf32, #tpu.memory_space<hbm>>
    %dma_wait3A_136 = arith.constant 0 : i32
    %dma_wait3A_137 = arith.constant 0 : i32
    %dma_wait3A_138 = tpu.memref_slice %arg10[%dma_wait3A_136, %dma_wait3A_137] : memref<512x16xf32, #tpu.memory_space<vmem>> -> memref<64x16xf32, #tpu.memory_space<vmem>>
    tpu.wait_dma2 semaphore(%arg11 : memref<!tpu.dma_semaphore, #tpu.memory_space<semaphore_mem>>) src(%dma_wait3A_138 : memref<64x16xf32, #tpu.memory_space<vmem>>) dst(%dma_wait3A_135 : memref<64x16xf32, #tpu.memory_space<hbm>>)
    %dma_wait3A_139 = arith.constant 0 : i32
    %dma_wait3A_140 = arith.constant 0 : i32
    %dma_wait3A_141 = tpu.memref_slice %arg10[%dma_wait3A_139, %dma_wait3A_140] : memref<512x16xf32, #tpu.memory_space<vmem>> -> memref<64x16xf32, #tpu.memory_space<vmem>>
    %dma_wait3A_142 = arith.constant 0 : i32
    %dma_wait3A_143 = tpu.memref_slice %arg5[%mul3A_2, %dma_wait3A_142] : memref<16384x16xf32, #tpu.memory_space<hbm>> -> memref<64x16xf32, #tpu.memory_space<hbm>>
    %dma_wait3A_144 = arith.constant 0 : i32
    %dma_wait3A_145 = tpu.memref_slice %arg5[%mul3A_2, %dma_wait3A_144] : memref<16384x16xf32, #tpu.memory_space<hbm>> -> memref<64x16xf32, #tpu.memory_space<hbm>>
    %dma_wait3A_146 = arith.constant 0 : i32
    %dma_wait3A_147 = arith.constant 0 : i32
    %dma_wait3A_148 = tpu.memref_slice %arg10[%dma_wait3A_146, %dma_wait3A_147] : memref<512x16xf32, #tpu.memory_space<vmem>> -> memref<64x16xf32, #tpu.memory_space<vmem>>
    tpu.wait_dma2 semaphore(%arg11 : memref<!tpu.dma_semaphore, #tpu.memory_space<semaphore_mem>>) src(%dma_wait3A_148 : memref<64x16xf32, #tpu.memory_space<vmem>>) dst(%dma_wait3A_145 : memref<64x16xf32, #tpu.memory_space<hbm>>)
    %dma_wait3A_149 = arith.constant 0 : i32
    %dma_wait3A_150 = arith.constant 0 : i32
    %dma_wait3A_151 = tpu.memref_slice %arg10[%dma_wait3A_149, %dma_wait3A_150] : memref<512x16xf32, #tpu.memory_space<vmem>> -> memref<64x16xf32, #tpu.memory_space<vmem>>
    %dma_wait3A_152 = arith.constant 0 : i32
    %dma_wait3A_153 = tpu.memref_slice %arg5[%mul3A_2, %dma_wait3A_152] : memref<16384x16xf32, #tpu.memory_space<hbm>> -> memref<64x16xf32, #tpu.memory_space<hbm>>
    %dma_wait3A_154 = arith.constant 0 : i32
    %dma_wait3A_155 = tpu.memref_slice %arg5[%mul3A_2, %dma_wait3A_154] : memref<16384x16xf32, #tpu.memory_space<hbm>> -> memref<64x16xf32, #tpu.memory_space<hbm>>
    %dma_wait3A_156 = arith.constant 0 : i32
    %dma_wait3A_157 = arith.constant 0 : i32
    %dma_wait3A_158 = tpu.memref_slice %arg10[%dma_wait3A_156, %dma_wait3A_157] : memref<512x16xf32, #tpu.memory_space<vmem>> -> memref<64x16xf32, #tpu.memory_space<vmem>>
    tpu.wait_dma2 semaphore(%arg11 : memref<!tpu.dma_semaphore, #tpu.memory_space<semaphore_mem>>) src(%dma_wait3A_158 : memref<64x16xf32, #tpu.memory_space<vmem>>) dst(%dma_wait3A_155 : memref<64x16xf32, #tpu.memory_space<hbm>>)
    %dma_wait3A_159 = arith.constant 0 : i32
    %dma_wait3A_160 = arith.constant 0 : i32
    %dma_wait3A_161 = tpu.memref_slice %arg10[%dma_wait3A_159, %dma_wait3A_160] : memref<512x16xf32, #tpu.memory_space<vmem>> -> memref<64x16xf32, #tpu.memory_space<vmem>>
    %dma_wait3A_162 = arith.constant 0 : i32
    %dma_wait3A_163 = tpu.memref_slice %arg5[%mul3A_2, %dma_wait3A_162] : memref<16384x16xf32, #tpu.memory_space<hbm>> -> memref<64x16xf32, #tpu.memory_space<hbm>>
    %dma_wait3A_164 = arith.constant 0 : i32
    %dma_wait3A_165 = tpu.memref_slice %arg5[%mul3A_2, %dma_wait3A_164] : memref<16384x16xf32, #tpu.memory_space<hbm>> -> memref<64x16xf32, #tpu.memory_space<hbm>>
    %dma_wait3A_166 = arith.constant 0 : i32
    %dma_wait3A_167 = arith.constant 0 : i32
    %dma_wait3A_168 = tpu.memref_slice %arg10[%dma_wait3A_166, %dma_wait3A_167] : memref<512x16xf32, #tpu.memory_space<vmem>> -> memref<64x16xf32, #tpu.memory_space<vmem>>
    tpu.wait_dma2 semaphore(%arg11 : memref<!tpu.dma_semaphore, #tpu.memory_space<semaphore_mem>>) src(%dma_wait3A_168 : memref<64x16xf32, #tpu.memory_space<vmem>>) dst(%dma_wait3A_165 : memref<64x16xf32, #tpu.memory_space<hbm>>)
    %dma_wait3A_169 = arith.constant 0 : i32
    %dma_wait3A_170 = arith.constant 0 : i32
    %dma_wait3A_171 = tpu.memref_slice %arg10[%dma_wait3A_169, %dma_wait3A_170] : memref<512x16xf32, #tpu.memory_space<vmem>> -> memref<64x16xf32, #tpu.memory_space<vmem>>
    %dma_wait3A_172 = arith.constant 0 : i32
    %dma_wait3A_173 = tpu.memref_slice %arg5[%mul3A_2, %dma_wait3A_172] : memref<16384x16xf32, #tpu.memory_space<hbm>> -> memref<64x16xf32, #tpu.memory_space<hbm>>
    %dma_wait3A_174 = arith.constant 0 : i32
    %dma_wait3A_175 = tpu.memref_slice %arg5[%mul3A_2, %dma_wait3A_174] : memref<16384x16xf32, #tpu.memory_space<hbm>> -> memref<64x16xf32, #tpu.memory_space<hbm>>
    %dma_wait3A_176 = arith.constant 0 : i32
    %dma_wait3A_177 = arith.constant 0 : i32
    %dma_wait3A_178 = tpu.memref_slice %arg10[%dma_wait3A_176, %dma_wait3A_177] : memref<512x16xf32, #tpu.memory_space<vmem>> -> memref<64x16xf32, #tpu.memory_space<vmem>>
    tpu.wait_dma2 semaphore(%arg11 : memref<!tpu.dma_semaphore, #tpu.memory_space<semaphore_mem>>) src(%dma_wait3A_178 : memref<64x16xf32, #tpu.memory_space<vmem>>) dst(%dma_wait3A_175 : memref<64x16xf32, #tpu.memory_space<hbm>>)
    %dma_wait3A_179 = arith.constant 0 : i32
    %dma_wait3A_180 = arith.constant 0 : i32
    %dma_wait3A_181 = tpu.memref_slice %arg10[%dma_wait3A_179, %dma_wait3A_180] : memref<512x16xf32, #tpu.memory_space<vmem>> -> memref<64x16xf32, #tpu.memory_space<vmem>>
    %dma_wait3A_182 = arith.constant 0 : i32
    %dma_wait3A_183 = tpu.memref_slice %arg5[%mul3A_2, %dma_wait3A_182] : memref<16384x16xf32, #tpu.memory_space<hbm>> -> memref<64x16xf32, #tpu.memory_space<hbm>>
    %dma_wait3A_184 = arith.constant 0 : i32
    %dma_wait3A_185 = tpu.memref_slice %arg5[%mul3A_2, %dma_wait3A_184] : memref<16384x16xf32, #tpu.memory_space<hbm>> -> memref<64x16xf32, #tpu.memory_space<hbm>>
    %dma_wait3A_186 = arith.constant 0 : i32
    %dma_wait3A_187 = arith.constant 0 : i32
    %dma_wait3A_188 = tpu.memref_slice %arg10[%dma_wait3A_186, %dma_wait3A_187] : memref<512x16xf32, #tpu.memory_space<vmem>> -> memref<64x16xf32, #tpu.memory_space<vmem>>
    tpu.wait_dma2 semaphore(%arg11 : memref<!tpu.dma_semaphore, #tpu.memory_space<semaphore_mem>>) src(%dma_wait3A_188 : memref<64x16xf32, #tpu.memory_space<vmem>>) dst(%dma_wait3A_185 : memref<64x16xf32, #tpu.memory_space<hbm>>)
    return
  }
}

</mosaic_0001>

<sc_bundles>
// kernel: kernel.3.cloned.1.call-start
scs
__scs_entry_jumppad:
0x0: {  	(pc) =	sbr.rel $0x88, $3  }
0x1: {  	(tag) =	ssettag $0x0;
	lr =	simm.s32 $0x1  }
0x2: {  	[smem:$0x3F9E] =	sst lr;
	_ =	strace $0xD0000000  }
0x3: {  	_ = 	snop  }
0x4: {  	_ = 	snop  }
0x5: {  	_ = 	snop  }
0x6: {  	_ = 	snop  }
0x7: {  	_ = 	snop  }
__scs_overlays_trampoline_lowered:
0x8: {  	[smem:$0x3FAD] =	sst s0  }
0x9: {  	[smem:$0x3FAE] =	sst s1  }
0xa: {  	[smem:$0x3FAF] =	sst s2  }
0xb: {  	[smem:$0x3FB0] =	sst s3  }
0xc: {  	[smem:$0x3FB1] =	sst s4  }
0xd: {  	[smem:$0x3FB2] =	sst s5  }
0xe: {  	[smem:$0x3FB3] =	sst s6  }
0xf: {  	[smem:$0x3FB4] =	sst s7  }
0x10: {  	[smem:$0x3FB5] =	sst s8  }
0x11: {  	[smem:$0x3FB6] =	sst s9;
	s0 =	simm.s32 @!p0 $0x0  }
0x12: {  	s1 =	sld [smem:$0x3F9C];
	s0 =	simm.s32 @p0 $0x1  }
0x13: {  	[smem:$0x3FB7] =	sst s0;
	s0 =	simm.s32 @!p1 $0x0  }
0x14: {  	s2 =	sld [smem:$0x3F9B];
	s0 =	simm.s32 @p1 $0x1  }
0x15: {  	[smem:$0x3FB8] =	sst s0;
	s0 =	simm.s32 @!p2 $0x0  }
0x16: {  	s3 =	sld [smem:$0x3FDB];
	s0 =	simm.s32 @p2 $0x1  }
0x17: {  	s4 =	simm.s32 $0x1BF5;
	[smem:$0x3FBA] =	sst s0  }
0x18: {  	s0 =	sld [smem:$0x3F9D];
	_ =	swait.ge [sflag:s4], $0x0  }
0x19: {  	s7 =	sld [smem:$0x3F9E]  }
0x1a: {  	s8 =	sadd.s32 $0xFFFFE003, lr  }
0x1b: {  	s9 =	sadd.s32 $0xFFFFFEF7, lr;
	s5 =	simm.s32 $0xFFFFFFFF;
	p2 =	slt.u32 s8, $0xFFFFF086  }
0x1c: {  	p1 =	slt.u32 s9, $0xF7A;
	s5 =	simm.s32 @!p2 $0x0  }
0x1d: {  	s5 =	simm.s32 @p1 $0x1;
	p0 =	seq.s32 s7, s2  }
0x1e: {  	s7 =	smul.u32 @!p0 $0xF7A, s2;
	p2 =	seq.s32 @!p0 s5, $0x0  }
0x1f: {  	s9 =	smul.u32 $0xF7A, s1;
	s8 =	simm.s32 @!p0 $0x1BF5;
	p2 =	por !p2, p0  }
0x20: {  	[sflag:s8] =	ssyncset.s32 @!p0 $0xFFFFF086;
	s6 =	sadd.s32 @!p0 s3, s7;
	s7 =	simm.s32 @!p0 $0x108  }
0x21: {  	s3 =	sadd.s32 s3, s9;
	s6 =	sadd.s32 @!p0 $0x88, s6;
	s7 =	simm.s32 @p2 $0x1082  }
0x22: {  	[simem:s7], [sflag:s8] =	dma.local @!p0 [hbm:s6], $0xF7A  }
0x23: {  	s9 =	sor.u32 $0xD0000000, s2;
	s6 =	simm.s32 $0x108;
	_ =	swait.ge @!p0 [sflag:s8], $0x0  }
0x24: {  	s3 =	sadd.s32 $0x88, s3;
	s6 =	simm.s32 @!p1 $0x1082;
	[sflag:s4] =	ssyncset.s32 $0xFFFFF086  }
0x25: {  	[simem:s6], [sflag:s4] =	dma.local [hbm:s3], $0xF7A  }
0x26: {  	[smem:$0x3F9E] =	sst s1;
	(tag) =	ssettag s2;
	_ =	strace s9  }
0x27: {  	s1 =	sld [smem:$0x3FAE]  }
0x28: {  	s2 =	sld [smem:$0x3FAF]  }
0x29: {  	s4 =	sld [smem:$0x3FB1]  }
0x2a: {  	p0 =	seq.s32 s5, $0x0;
	s5 =	sld [smem:$0x3FB2]  }
0x2b: {  	s6 =	sld [smem:$0x3FB3]  }
0x2c: {  	s7 =	sld [smem:$0x3FB4]  }
0x2d: {  	s3 =	simm.s32 $0x108;
	s8 =	sld [smem:$0x3FB5]  }
0x2e: {  	s3 =	simm.s32 @!p0 $0x1082;
	s9 =	sld [smem:$0x3FB6]  }
0x2f: {  	lr =	sadd.s32 s0, s3;
	s0 =	sld [smem:$0x3FAD]  }
0x30: {  	s3 =	sld [smem:$0x3FB0]  }
0x31: {  	[smem:$0x3FB9] =	sst s10  }
0x32: {  	s10 =	sld [smem:$0x3FB7];
	_ =	sdelay $0x3  }
0x33: {  	p0 =	seq.s32 s10, $0x1;
	s10 =	sld [smem:$0x3FB9];
	_ =	sdelay $0x3  }
0x34: {  	[smem:$0x3FB9] =	sst s10  }
0x35: {  	s10 =	sld [smem:$0x3FB8];
	_ =	sdelay $0x3  }
0x36: {  	p1 =	seq.s32 s10, $0x1;
	s10 =	sld [smem:$0x3FB9];
	_ =	sdelay $0x3  }
0x37: {  	[smem:$0x3FB9] =	sst s10  }
0x38: {  	s10 =	sld [smem:$0x3FBA]  }
0x39: {  	_ = 	snop;
	(pc) =	sbr.ind lr, $3  }
0x3a: {  	_ = 	snop  }
0x3b: {  	_ = 	snop  }
0x3c: {  	p2 =	seq.s32 s10, $0x1;
	s10 =	sld [smem:$0x3FB9]  }
0x3d: {  	_ =	shalt  }
0x3e: {  	_ =	shalt  }
0x3f: {  	_ =	shalt  }
0x40: {  	_ =	shalt  }
0x41: {  	_ =	shalt  }
0x42: {  	_ =	shalt  }
0x43: {  	_ =	shalt  }
0x44: {  	_ =	shalt  }
0x45: {  	_ =	shalt  }
0x46: {  	_ =	shalt  }
0x47: {  	_ =	shalt  }
0x48: {  	_ =	shalt  }
0x49: {  	_ =	shalt  }
0x4a: {  	_ =	shalt  }
0x4b: {  	_ =	shalt  }
0x4c: {  	_ =	shalt  }
0x4d: {  	_ =	shalt  }
0x4e: {  	_ =	shalt  }
0x4f: {  	_ =	shalt  }
0x50: {  	_ =	shalt  }
0x51: {  	_ =	shalt  }
0x52: {  	_ =	shalt  }
0x53: {  	_ =	shalt  }
0x54: {  	_ =	shalt  }
0x55: {  	_ =	shalt  }
0x56: {  	_ =	shalt  }
0x57: {  	_ =	shalt  }
0x58: {  	_ =	shalt  }
0x59: {  	_ =	shalt  }
0x5a: {  	_ =	shalt  }
0x5b: {  	_ =	shalt  }
0x5c: {  	_ =	shalt  }
0x5d: {  	_ =	shalt  }
0x5e: {  	_ =	shalt  }
0x5f: {  	_ =	shalt  }
0x60: {  	_ =	shalt  }
0x61: {  	_ =	shalt  }
0x62: {  	_ =	shalt  }
0x63: {  	_ =	shalt  }
0x64: {  	_ =	shalt  }
0x65: {  	_ =	shalt  }
0x66: {  	_ =	shalt  }
0x67: {  	_ =	shalt  }
0x68: {  	_ =	shalt  }
0x69: {  	_ =	shalt  }
0x6a: {  	_ =	shalt  }
0x6b: {  	_ =	shalt  }
0x6c: {  	_ =	shalt  }
0x6d: {  	_ =	shalt  }
0x6e: {  	_ =	shalt  }
0x6f: {  	_ =	shalt  }
0x70: {  	_ =	shalt  }
0x71: {  	_ =	shalt  }
0x72: {  	_ =	shalt  }
0x73: {  	_ =	shalt  }
0x74: {  	_ =	shalt  }
0x75: {  	_ =	shalt  }
0x76: {  	_ =	shalt  }
0x77: {  	_ =	shalt  }
0x78: {  	_ =	shalt  }
0x79: {  	_ =	shalt  }
0x7a: {  	_ =	shalt  }
0x7b: {  	_ =	shalt  }
0x7c: {  	_ =	shalt  }
0x7d: {  	_ =	shalt  }
0x7e: {  	_ =	shalt  }
0x7f: {  	_ =	shalt  }
0x80: {  	_ =	shalt  }
0x81: {  	_ =	shalt  }
0x82: {  	_ =	shalt  }
0x83: {  	_ =	shalt  }
0x84: {  	_ =	shalt  }
0x85: {  	_ =	shalt  }
0x86: {  	_ =	shalt  }
0x87: {  	_ =	shalt  }
.Lfunc_end0:
.L_simem_size_0:
called_computation_lowered:
.L_overlay_start_0:
0x88: {  	s2 =	sld [smem:$0x3FD9]  }
0x89: {  	s3 =	sld [smem:$0x3FFE];
	_ =	sdelay $0x1  }
0x8a: {  	s1 =	srdreg.scid  }
0x8b: {  	s0 =	sand.u32 $0x1, s1  }
0x8c: {  	s17 =	sshll.u32 s0, $0xA;
	s2 =	sadd.s32 s3, s2  }
0x8d: {  	s2 =	sadd.s32 s2, s17  }
0x8e: {  	[smem:$0x3FC5] =	sst s2  }
0x8f: {  	_ = 	snop  }
0x90: {  	s2 =	sld [smem:$0x3FC9]  }
0x91: {  	s18 =	sld [smem:$0x3FC8]  }
0x92: {  	s4 =	sld [smem:$0x3FD0];
	(tm) =	ssettm $0x1  }
0x93: {  	s5 =	sld [smem:$0x3FFB];
	_ =	sdelay $0x3  }
0x94: {  	_ =	strace s5  }
0x95: {  	s5 =	sld [smem:$0x3FFC];
	_ =	sdelay $0x3  }
0x96: {  	_ =	strace s5  }
0x97: {  	s5 =	sld [smem:$0x3FFD];
	_ =	sdelay $0x3  }
0x98: {  	_ =	strace s5  }
0x99: {  	_ =	strace $0x8FFFFFFF  }
0x9a: {  	s19 =	sld [smem:$0x3FDB];
	_ =	sdelay $0x1  }
0x9b: {  	s6 =	simm.s32 $_scs_section_size  }
0x9c: {  	s7 =	simm.s32 $_size__tile_overlayer_lowered;
	s8 =	simm.s32 $_tile_overlayer_lowered  }
0x9d: {  	s22 =	simm.s32 $0x1BFF;
	s21 =	sshll.u32 s8, $0x1;
	s5 =	sadd.s32 s6, s19  }
0x9e: {  	s9 =	simm.s32 $0x0;
	s20 =	sshll.u32 s7, $0x1;
	s7 =	sadd.s32 s21, s5  }
0x9f: {  	[timem:s9], [sflag:s22] =	dma.local [hbm:s7], s20  }
0xa0: {  	_ =	swait.ge [sflag:s22], s20  }
0xa1: {  	s6 =	ssub.s32 $0x0, s20;
	[sflag:s22] =	ssyncset.done $0x0  }
0xa2: {  	[sflag:s22] =	ssyncadd.s32 s6;
	_ =	sdelay $0x1  }
0xa3: {  	s23 =	simm.s32 $0x1B8B  }
0xa4: {  	_ =	swait.ge [sflag:s23], $0x1  }
0xa5: {  	[sflag:s23] =	ssyncset.done $0x0  }
0xa6: {  	s25 =	simm.s32 $0x1B8E;
	s24 =	sld [smem:$0x3FFE];
	[sflag:s23] =	ssyncadd.s32 $0xFFFFFFFF  }
0xa7: {  	s26 =	simm.s32 $execute0_lowered;
	[smem:$0x3FD2] =	sst s25  }
0xa8: {  	s7 =	sshll.u32 s26, $0x1;
	_ =	strace $0x80000046;
	[dreg:$0x1] =	wrdreg $0xFFFFFFFF  }
0xa9: {  	s28 =	simm.s32 $_size_execute0_lowered;
	s5 =	sadd.s32 s5, s7;
	[dreg:$0x0] =	wrdreg $0x0  }
0xaa: {  	s7 =	sshll.u32 s28, $0x1;
	[dreg:$0x2] =	wrdreg s5  }
0xab: {  	[dreg:$0x3] =	wrdreg s7  }
0xac: {  	[dreg:$0x4] =	wrdreg $0xC0  }
0xad: {  	_ =	task [dreg:s9], $0x5FFFF  }
0xae: {  	[dreg:$0x1] =	wrdreg $0xFFFFFFFF  }
0xaf: {  	[dreg:$0x0] =	wrdreg $0x60  }
0xb0: {  	[dreg:$0x2] =	wrdreg s18  }
0xb1: {  	[dreg:$0x3] =	wrdreg s2  }
0xb2: {  	[dreg:$0x4] =	wrdreg s4  }
0xb3: {  	[dreg:$0x5] =	wrdreg s24  }
0xb4: {  	[dreg:$0x6] =	wrdreg $0x9  }
0xb5: {  	_ =	task.clear_ibuf [dreg:s9], $0x7FFFF;
	_ =	strace $0x90000046  }
0xb6: {  	s29 =	simm.s32 $0x9;
	_ =	strace $0x80000048  }
0xb7: {  	_ =	swait.ge [sflag:s29], $0x1  }
0xb8: {  	[sflag:s29] =	ssyncadd.s32 $0xFFFFFFFF  }
0xb9: {  	_ =	strace $0x90000048  }
0xba: {  	_ =	sfence  }
0xbb: {  	s30 =	sld [smem:$0x0];
	_ =	sdelay $0x2  }
0xbc: {  	s31 =	sshll.u32 s1, $0xD;
	s1 =	sshrl.u32 s1, $0x2  }
0xbd: {  	s3 =	sand.u32 $0x4000, s31;
	s1 =	sadd.s32 s1, s30  }
0xbe: {  	s0 =	sor.u32 s3, s0;
	s1 =	sshll.u32 s1, $0x11  }
0xbf: {  	s0 =	sor.u32 s1, s0  }
0xc0: {  	s0 =	sadd.s32 $0x8F2B, s0  }
0xc1: {  	[sflag:s0] =	ssyncadd.remote.s32 $0x1  }
0xc2: {  	_ =	sfence.sel $0xFFFF  }
0xc3: {  	[dreg:$0x0] =	wrdreg $0xFFFFFFFF;
	(pc) =	sbr.abs _section_cstart, $3  }
0xc4: {  	[dreg:$0x1] =	wrdreg $0xFFFFFFFF  }
0xc5: {  	_ =	task.clear_ibuf [dreg:s9], $0x2FFFF;
	_ =	strace $0x9FFFFFFF  }
0xc6: {  	(tm) =	ssettm $0x7FFFFFFF  }
0xc7: {  	_ =	shalt  }
tec
execute0_lowered:
.L_overlay_start_1:
0x0: {  	(tag) =	ssettag $0x1  }
0x1: {  	s1 =	rddreg [dreg:$0x0]  }
0x2: {  	s5 =	rddreg [dreg:$0x1]  }
0x3: {  	s2 =	rddreg [dreg:$0x2]  }
0x4: {  	s6 =	rddreg [dreg:$0x3]  }
0x5: {  	s0 =	rddreg [dreg:$0x4];
	s7 =	srdreg.scid;
	s4 =	simm.s32 $0x0  }
0x6: {  	s3 =	stileid.u32;
	s11 =	simm.s32 $0x0;
	s7 =	sand.u32 $0x1, s7  }
0x7: {  	[smem:$0x7FF] =	sst s4;
	s8 =	sshll.u32 s3, $0xA;
	s9 =	sshll.u32 s7, $0x9  }
.Ltmp0:
0x8: {  	s7 =	ssub.s32 $0x2, s7;
	s8 =	sor.u32 s9, s8;
	(pc) =	sbr.rel .LBB2_1-.Ltmp0, $4  }
0x9: {  	_ =	strace $0x80000047;
	s10 =	sshrl.u32 s7, $0x1;
	s9 =	sshll.u32 s8, $0x4  }
0xa: {  	s8 =	sshrl.u32 s8, $0x3;
	s7 =	ssub.s32 s7, s10;
	s10 =	simm.s32 $0x1  }
0xb: {  	s6 =	sadd.s32 s9, s6;
	s5 =	sadd.s32 s5, s8;
	s7 =	smax.u32 s7, $0x1  }
0xc: {  	v0 =	vimm.f32 $0.0e+00;
	v1 =	vimm.s32 $0x40;
	s8 =	simm.s32 $0x2;
	s9 =	simm.s32 $0x400;
	s6 =	sadd.s32 $0x400, s6  }
.LBB2_9:
0xd: {  	_ =	swait.ge [sflag:s10], $0x2000  }
0xe: {  	[sflag:s10] =	ssyncset.done $0x0  }
0xf: {  	[sflag:s10] =	ssyncadd.s32 $0xFFFFE000  }
0x10: {  	_ =	swait.ge [sflag:s10], $0x2000  }
0x11: {  	[sflag:s10] =	ssyncset.done $0x0  }
0x12: {  	[sflag:s10] =	ssyncadd.s32 $0xFFFFE000  }
0x13: {  	_ =	swait.ge [sflag:s10], $0x2000  }
0x14: {  	[sflag:s10] =	ssyncset.done $0x0  }
0x15: {  	[sflag:s10] =	ssyncadd.s32 $0xFFFFE000  }
0x16: {  	_ =	swait.ge [sflag:s10], $0x2000  }
0x17: {  	[sflag:s10] =	ssyncset.done $0x0  }
0x18: {  	[sflag:s10] =	ssyncadd.s32 $0xFFFFE000  }
0x19: {  	_ =	swait.ge [sflag:s10], $0x2000  }
0x1a: {  	[sflag:s10] =	ssyncset.done $0x0  }
0x1b: {  	[sflag:s10] =	ssyncadd.s32 $0xFFFFE000  }
0x1c: {  	_ =	swait.ge [sflag:s10], $0x2000  }
0x1d: {  	[sflag:s10] =	ssyncset.done $0x0  }
0x1e: {  	s11 =	sadd.s32 $0x1, s11;
	[sflag:s10] =	ssyncadd.s32 $0xFFFFE000  }
0x1f: {  	p0 =	sne.s32 s11, s7;
	_ =	swait.ge [sflag:s10], $0x2000  }
.Ltmp1:
0x20: {  	[sflag:s10] =	ssyncset.done $0x0;
	(pc) =	sbr.rel @!p0 .LBB2_10-.Ltmp1, $4  }
0x21: {  	[sflag:s10] =	ssyncadd.s32 $0xFFFFE000  }
0x22: {  	_ =	swait.ge [sflag:s10], $0x2000  }
0x23: {  	[sflag:s10] =	ssyncset.done $0x0  }
0x24: {  	[sflag:s10] =	ssyncadd.s32 $0xFFFFE000  }
.LBB2_1:
0x25: {  	[tilespmem:s4], [sflag:$0x2] =	stream.linear.gather [hbm4b:s1+s4], $0x280, $0x38;
	[tilespmem:$0x10700] =	vst v63  }
0x26: {  	_ =	swait.ge [sflag:s8], $0x280  }
0x27: {  	[sflag:s8] =	ssyncset.done $0x0  }
0x28: {  	[sflag:s8] =	ssyncadd.s32 $0xFFFFFD80  }
0x29: {  	[tilespmem:s9], [sflag:$0x2] =	stream.linear.gather [hbm4b:s2+s4], $0x80, $0x38;
	[tilespmem:$0x10700] =	vst v63  }
0x2a: {  	_ =	swait.ge [sflag:s8], $0x80  }
0x2b: {  	[sflag:s8] =	ssyncset.done $0x0  }
0x2c: {  	s12 =	simm.s32 $0x480;
	[sflag:s8] =	ssyncadd.s32 $0xFFFFFF80  }
0x2d: {  	[tilespmem:s12], [sflag:$0x2] =	stream.linear.gather [hbm4b:s5+s4], $0x200, $0x38;
	[tilespmem:$0x10700] =	vst v63  }
0x2e: {  	_ =	swait.ge [sflag:s8], $0x200  }
0x2f: {  	[sflag:s8] =	ssyncset.done $0x0  }
0x30: {  	[sflag:s8] =	ssyncadd.s32 $0xFFFFFE00  }
0x31: {  	v2 =	vld [tilespmem:$0x400];
	_ =	sdelay $0x4  }
0x32: {  	v2 =	vand.u32 $0x7FFFFFFF, v2  }
0x33: {  	v2 =	vmax.f32 v2, $1.000000010e-01  }
0x34: {  	(erf) = vrcp.f32 v2;
	_ =	sdelay $0x4  }
0x35: {  	v2 =	vld [tilespmem:$0x0];
	_ =	sdelay $0x3  }
0x36: {  	v3 =	vpop (erf)  }
0x37: {  	v2 =	vmul.f32 v3, v2;
	_ =	sdelay $0x1  }
0x38: {  	(xrf0) =	vmax.scan.msk.f32 $0xffff, v2;
	_ =	sdelay $0x5  }
0x39: {  	v4, _, _ =	vpop (xrf0)  }
0x3a: {  	v4 =	vbroadcast v4, $0xF;
	_ =	sdelay $0x1  }
0x3b: {  	v2 =	vsub.f32 v2, v4;
	_ =	sdelay $0x1  }
0x3c: {  	v2 =	vmul.f32 $1.442695020e+00, v2;
	_ =	sdelay $0x1  }
0x3d: {  	(erf) = vpow2.f32 v2;
	_ =	sdelay $0x3  }
0x3e: {  	v2 =	vld [tilespmem:$0x80];
	_ =	sdelay $0x4  }
0x3f: {  	v2 =	vmul.f32 v3, v2;
	v53 =	vpop (erf)  }
0x40: {  	(xrf2) =	vadd.scan.msk.f32 $0xffff, v53  }
0x41: {  	(xrf0) =	vmax.scan.msk.f32 $0xffff, v2;
	_ =	sdelay $0x5  }
0x42: {  	v5, _, _ =	vpop (xrf0)  }
0x43: {  	v5 =	vbroadcast v5, $0xF;
	_ =	sdelay $0x1  }
0x44: {  	v2 =	vsub.f32 v2, v5;
	v6, _, _ =	vpop (xrf2)  }
0x45: {  	v54 =	vbroadcast v6, $0xF  }
0x46: {  	v2 =	vmul.f32 $1.442695020e+00, v2  }
0x47: {  	(erf) = vrcp.f32 v54  }
0x48: {  	(erf) = vpow2.f32 v2;
	_ =	sdelay $0x3  }
0x49: {  	v2 =	vld [tilespmem:$0x100];
	_ =	sdelay $0x3  }
0x4a: {  	v5 =	vpop (erf)  }
0x4b: {  	v2 =	vmul.f32 v2, v3;
	v55 =	vpop (erf)  }
0x4c: {  	(xrf2) =	vadd.scan.msk.f32 $0xffff, v55  }
0x4d: {  	(xrf0) =	vmax.scan.msk.f32 $0xffff, v2;
	_ =	sdelay $0x5  }
0x4e: {  	v7, _, _ =	vpop (xrf0)  }
0x4f: {  	v7 =	vbroadcast v7, $0xF;
	_ =	sdelay $0x1  }
0x50: {  	v2 =	vsub.f32 v2, v7;
	v8, _, _ =	vpop (xrf2)  }
0x51: {  	v56 =	vbroadcast v8, $0xF  }
0x52: {  	v2 =	vmul.f32 $1.442695020e+00, v2  }
0x53: {  	(erf) = vrcp.f32 v56  }
0x54: {  	(erf) = vpow2.f32 v2;
	_ =	sdelay $0x3  }
0x55: {  	v2 =	vld [tilespmem:$0x180];
	_ =	sdelay $0x3  }
0x56: {  	v7 =	vpop (erf)  }
0x57: {  	v2 =	vmul.f32 v2, v3;
	v57 =	vpop (erf)  }
0x58: {  	(xrf2) =	vadd.scan.msk.f32 $0xffff, v57  }
0x59: {  	(xrf0) =	vmax.scan.msk.f32 $0xffff, v2;
	_ =	sdelay $0x5  }
0x5a: {  	v9, _, _ =	vpop (xrf0)  }
0x5b: {  	v9 =	vbroadcast v9, $0xF;
	_ =	sdelay $0x1  }
0x5c: {  	v2 =	vsub.f32 v2, v9;
	v10, _, _ =	vpop (xrf2)  }
0x5d: {  	v58 =	vbroadcast v10, $0xF  }
0x5e: {  	v2 =	vmul.f32 $1.442695020e+00, v2  }
0x5f: {  	(erf) = vrcp.f32 v58  }
0x60: {  	(erf) = vpow2.f32 v2;
	_ =	sdelay $0x3  }
0x61: {  	v2 =	vld [tilespmem:$0x200];
	_ =	sdelay $0x3  }
0x62: {  	v9 =	vpop (erf)  }
0x63: {  	v2 =	vmul.f32 v2, v3;
	v59 =	vpop (erf)  }
0x64: {  	(xrf2) =	vadd.scan.msk.f32 $0xffff, v59  }
0x65: {  	(xrf0) =	vmax.scan.msk.f32 $0xffff, v2;
	_ =	sdelay $0x5  }
0x66: {  	v3, _, _ =	vpop (xrf0)  }
0x67: {  	v3 =	vbroadcast v3, $0xF;
	_ =	sdelay $0x1  }
0x68: {  	v2 =	vsub.f32 v2, v3;
	v11, _, _ =	vpop (xrf2)  }
0x69: {  	v3 =	vbroadcast v11, $0xF  }
0x6a: {  	v2 =	vmul.f32 $1.442695020e+00, v2  }
0x6b: {  	(erf) = vrcp.f32 v3  }
0x6c: {  	(erf) = vpow2.f32 v2;
	_ =	sdelay $0x7  }
0x6d: {  	v2 =	vpop (erf)  }
0x6e: {  	v3 =	vpop (erf)  }
0x6f: {  	(xrf2) =	vadd.scan.msk.f32 $0xffff, v3;
	_ =	sdelay $0x9  }
0x70: {  	v60, _, _ =	vpop (xrf2)  }
0x71: {  	v11 =	vbroadcast v60, $0xF;
	_ =	sdelay $0x1  }
0x72: {  	(erf) = vrcp.f32 v11;
	_ =	sdelay $0x5  }
0x73: {  	v4 =	vmul.f32 v5, v53  }
0x74: {  	v61 =	vmul.f32 v7, v55  }
.Ltmp2:
0x75: {  	[tilespmem:$0x680] =	vst v4;
	v62 =	vmul.f32 v9, v57;
	(pc) =	sbr.rel .LBB2_2-.Ltmp2, $4  }
0x76: {  	[tilespmem:$0x690] =	vst v61;
	v63 =	vmul.f32 v2, v59;
	v2 =	vpop (erf)  }
0x77: {  	[tilespmem:$0x6A0] =	vst v62;
	v2 =	vmul.f32 v2, v3  }
0x78: {  	[tilespmem:$0x6B0] =	vst v63  }
0x79: {  	s13 =	simm.s32 $0x800;
	s14 =	simm.s32 $0xB00;
	s15 =	simm.s32 $0x0;
	[tilespmem:$0x6C0] =	vst v2  }
.LBB2_8:
0x7a: {  	s16 =	sshll.u32 s15, $0xD;
	s17 =	sshll.u32 s15, $0xA;
	s15 =	sadd.s32 $0x1, s15  }
0x7b: {  	p0 =	sne.s32 s15, $0x8  }
.Ltmp3:
0x7c: {  	_ = 	snop;
	(pc) =	sbr.rel @!p0 .LBB2_9-.Ltmp3, $4  }
0x7d: {  	_ = 	snop  }
0x7e: {  	s13 =	sadd.s32 $0x2000, s13;
	s12 =	sadd.s32 $0x40, s12;
	s16 =	sand.u32 $0x3FFFE000, s16  }
0x7f: {  	s14 =	sadd.s32 $0x2000, s14;
	s17 =	sadd.s32 s17, s6;
	s16 =	sor.u32 $0x700, s16  }
0x80: {  	[hbm4b:s17+s4] =	stream.linear.scatter [tilespmem:s16], [sflag:$0x1], $0x2000, $0x38;
	[tilespmem:$0x10700] =	vst v63  }
.LBB2_2:
0x81: {  	[tilespmem:s13+$0xFFFFFF00] =	vst v2  }
0x82: {  	[tilespmem:s13+$0x80] =	vst v2  }
0x83: {  	s16 =	simm.s32 $0x0;
	[tilespmem:s13+$0x0] =	vst v2;
	s17 =	smov.u32 s13  }
.LBB2_3:
0x84: {  	s16 =	sadd.s32 $0x4, s16  }
0x85: {  	[tilespmem:s17+$0xFFFFFF80] =	vst v2;
	s17 =	sadd.s32 $0x200, s17;
	p0 =	slt.u32 s16, $0x3C  }
.Ltmp4:
0x86: {  	[tilespmem:s17+$0xFFFFFF00] =	vst v2;
	(pc) =	sbr.rel @p0 .LBB2_3-.Ltmp4, $3  }
0x87: {  	_ =	sdelay $0x1  }
0x88: {  	[tilespmem:s17+$0x80] =	vst v2  }
0x89: {  	[tilespmem:s17+$0x0] =	vst v2  }
.Ltmp5:
0x8a: {  	(pc) =	sbr.rel .LBB2_5-.Ltmp5, $2  }
0x8b: {  	_ =	sdelay $0x2  }
0x8c: {  	[tilespmem:s17+$0xFFFFFF80] =	vst v2;
	s16 =	simm.s32 $0x0;
	s17 =	smov.u32 s14  }
.LBB2_7:
0x8d: {  	s16 =	sadd.s32 $0x40, s16  }
0x8e: {  	p0 =	sne.s32 s16, $0x100  }
.Ltmp6:
0x8f: {  	_ = 	snop;
	(pc) =	sbr.rel @!p0 .LBB2_8-.Ltmp6, $2  }
0x90: {  	_ =	sdelay $0x2  }
0x91: {  	s17 =	sadd.s32 $0x800, s17  }
.LBB2_5:
0x92: {  	s18 =	sshra.s32 s16, $0x2  }
0x93: {  	s18 =	sadd.s32 s18, s12  }
0x94: {  	v3 =	vld [tilespmem:s18+$0x0];
	_ =	sdelay $0x4  }
0x95: {  	vm0 =	veq.s32 v3, $0x96;
	vm1 =	veq.s32 v3, $0xC8  }
0x96: {  	vm2 =	veq.s32 v3, $0xFA;
	vm3 =	vmor vm0, vm1  }
0x97: {  	vm4 =	vmor vm2, vm3;
	vm3 =	veq.s32 v3, $0x12C  }
0x98: {  	vm4 =	vmor vm3, vm4  }
0x99: {  	v3 =	vsel vm4, $0x3F800000, v0  }
0x9a: {  	(xrf0) =	vmax.scan.msk.f32 $0xffff, v3;
	_ =	sdelay $0x5  }
0x9b: {  	v3, _, _ =	vpop (xrf0)  }
0x9c: {  	(v2sf) =	vpush v3, $0xF;
	_ =	sdelay $0xe  }
0x9d: {  	s31 =	spop (v2sf)  }
0x9e: {  	p0 =	sgt.f32 s31, $0.0e+00  }
.Ltmp7:
0x9f: {  	_ = 	snop;
	(pc) =	sbr.rel @!p0 .LBB2_7-.Ltmp7, $1  }
0xa0: {  	_ =	sdelay $0x3  }
0xa1: {  	v3 =	vsel vm0, $0x0, v1  }
0xa2: {  	v3 =	vsel vm1, $0x10, v3  }
0xa3: {  	v3 =	vsel vm2, $0x20, v3  }
0xa4: {  	v3 =	vsel vm3, $0x30, v3  }
0xa5: {  	(v2sf) =	vpush v3, $0x0;
	_ =	sdelay $0x5  }
0xa6: {  	(v2sf) =	vpush v3, $0x1;
	_ =	sdelay $0x5  }
0xa7: {  	(v2sf) =	vpush v3, $0x2;
	_ =	sdelay $0x2  }
0xa8: {  	s18 =	spop (v2sf)  }
0xa9: {  	v4 =	vld [tilespmem:s18+$0x680];
	_ =	sdelay $0x1  }
0xaa: {  	(v2sf) =	vpush v3, $0x3;
	_ =	sdelay $0x2  }
0xab: {  	s29 =	spop (v2sf);
	[tilespmem:s17+$0xFFFFFC00] =	vst v4  }
0xac: {  	v4 =	vld [tilespmem:s29+$0x680];
	_ =	sdelay $0x1  }
0xad: {  	(v2sf) =	vpush v3, $0x4;
	_ =	sdelay $0x2  }
0xae: {  	s30 =	spop (v2sf);
	[tilespmem:s17+$0xFFFFFC80] =	vst v4  }
0xaf: {  	v4 =	vld [tilespmem:s30+$0x680];
	_ =	sdelay $0x1  }
0xb0: {  	(v2sf) =	vpush v3, $0x5;
	_ =	sdelay $0x2  }
0xb1: {  	s31 =	spop (v2sf);
	[tilespmem:s17+$0xFFFFFD00] =	vst v4  }
0xb2: {  	v4 =	vld [tilespmem:s31+$0x680];
	_ =	sdelay $0x1  }
0xb3: {  	(v2sf) =	vpush v3, $0x6;
	_ =	sdelay $0x2  }
0xb4: {  	s19 =	spop (v2sf);
	[tilespmem:s17+$0xFFFFFD80] =	vst v4  }
0xb5: {  	v4 =	vld [tilespmem:s19+$0x680];
	_ =	sdelay $0x1  }
0xb6: {  	(v2sf) =	vpush v3, $0x7;
	_ =	sdelay $0x2  }
0xb7: {  	s20 =	spop (v2sf);
	[tilespmem:s17+$0xFFFFFE00] =	vst v4  }
0xb8: {  	v4 =	vld [tilespmem:s20+$0x680];
	_ =	sdelay $0x1  }
0xb9: {  	(v2sf) =	vpush v3, $0x8;
	_ =	sdelay $0x2  }
0xba: {  	s21 =	spop (v2sf);
	[tilespmem:s17+$0xFFFFFE80] =	vst v4  }
0xbb: {  	v4 =	vld [tilespmem:s21+$0x680];
	_ =	sdelay $0x1  }
0xbc: {  	(v2sf) =	vpush v3, $0x9;
	_ =	sdelay $0x2  }
0xbd: {  	s22 =	spop (v2sf);
	[tilespmem:s17+$0xFFFFFF00] =	vst v4  }
0xbe: {  	v4 =	vld [tilespmem:s22+$0x680];
	_ =	sdelay $0x1  }
0xbf: {  	(v2sf) =	vpush v3, $0xA;
	_ =	sdelay $0x2  }
0xc0: {  	s23 =	spop (v2sf);
	[tilespmem:s17+$0xFFFFFF80] =	vst v4  }
0xc1: {  	v4 =	vld [tilespmem:s23+$0x680];
	_ =	sdelay $0x1  }
0xc2: {  	(v2sf) =	vpush v3, $0xB;
	_ =	sdelay $0x2  }
0xc3: {  	s24 =	spop (v2sf);
	[tilespmem:s17+$0x0] =	vst v4  }
0xc4: {  	v4 =	vld [tilespmem:s24+$0x680];
	_ =	sdelay $0x1  }
0xc5: {  	(v2sf) =	vpush v3, $0xC;
	_ =	sdelay $0x2  }
0xc6: {  	s25 =	spop (v2sf);
	[tilespmem:s17+$0x80] =	vst v4  }
0xc7: {  	v4 =	vld [tilespmem:s25+$0x680];
	_ =	sdelay $0x1  }
0xc8: {  	(v2sf) =	vpush v3, $0xD;
	_ =	sdelay $0x2  }
0xc9: {  	s26 =	spop (v2sf);
	[tilespmem:s17+$0x100] =	vst v4  }
0xca: {  	v4 =	vld [tilespmem:s26+$0x680];
	_ =	sdelay $0x1  }
0xcb: {  	(v2sf) =	vpush v3, $0xE;
	_ =	sdelay $0x2  }
0xcc: {  	s28 =	spop (v2sf);
	[tilespmem:s17+$0x180] =	vst v4  }
0xcd: {  	v4 =	vld [tilespmem:s28+$0x680];
	_ =	sdelay $0x1  }
0xce: {  	(v2sf) =	vpush v3, $0xF;
	_ =	sdelay $0x2  }
0xcf: {  	s29 =	spop (v2sf);
	[tilespmem:s17+$0x200] =	vst v4  }
0xd0: {  	v3 =	vld [tilespmem:s29+$0x680];
	_ =	sdelay $0x4  }
0xd1: {  	s30 =	spop (v2sf);
	[tilespmem:s17+$0x280] =	vst v3  }
0xd2: {  	v3 =	vld [tilespmem:s30+$0x680];
	_ =	sdelay $0x4  }
0xd3: {  	s31 =	spop (v2sf);
	[tilespmem:s17+$0x300] =	vst v3  }
0xd4: {  	v3 =	vld [tilespmem:s31+$0x680]  }
.Ltmp8:
0xd5: {  	_ = 	snop;
	(pc) =	sbr.rel .LBB2_7-.Ltmp8, $2  }
0xd6: {  	_ =	sdelay $0x2  }
0xd7: {  	[tilespmem:s17+$0x380] =	vst v3  }
.LBB2_10:
0xd8: {  	_ =	sfence.sel $0x180000  }
0xd9: {  	[bflag:$0x0] =	sbarrier.arrive $0xFFFF  }
0xda: {  	p0 =	sne.s32 s3, $0x0;
	_ =	strace $0x90000047  }
0xdb: {  	s0 =	sadd.s32 @!p0 $0x100000, s0;
	[bflag:$0x2] =	sbarrier.arrive $0xFFFF  }
0xdc: {  	[sflag:s0] =	ssyncadd.tile.s32 @!p0 $0x1;
	_ =	shalt  }
.Lfunc_end2:
_tile_overlayer_lowered:
.L_overlay_start_2:
0xdd: {  	(tag) =	ssettag $0x2  }
0xde: {  	s0 =	rddreg [dreg:$0x0];
	s2 =	stileid.u32  }
0xdf: {  	s1 =	rddreg [dreg:$0x1];
	p0 =	sne.s32 s2, $0x0  }
0xe0: {  	s3 =	rddreg [dreg:$0x2];
	[bflag:$0x3] =	sbarrier.arrive $0xFFFF;
	s2 =	simm.s32 @!p0 $0x1C02  }
0xe1: {  	[timem:s3], [sflag:s2] =	dma.local @!p0 [hbm:s0], s1  }
0xe2: {  	s0 =	simm.s32 @!p0 $0x2  }
0xe3: {  	_ =	swait.ge @!p0 [sflag:s0], s1  }
0xe4: {  	s1 =	ssub.s32 @!p0 $0x0, s1;
	[sflag:s0] =	ssyncset.done @!p0 $0x0  }
0xe5: {  	[sflag:s0] =	ssyncadd.s32 @!p0 s1  }
0xe6: {  	[bflag:$0x3] =	sbarrier.arrive $0xFFFF  }
0xe7: {  	_ =	shalt  }

</sc_bundles>
